<compile_context>
chip_gen: v7x
topology: tpu7x:2x2x1
jax: 0.10.2.dev20260603
libtpu: 0.0.44.dev20260713+nightly
codegen_flags: <defaults>
</compile_context>

<pallas_src>
import jax
import jax.numpy as jnp
from jax import lax
from jax.experimental import pallas as pl
from jax.experimental.pallas import tpu as pltpu
from jax.experimental.pallas import tpu_sc as plsc

_N = 10000
_E = 320000
_D = 128

_NPAD = 10240
_ROWS_PER_TILE = _NPAD // 16
_NW = 32
_CHUNK = 128
_EPW = 10240
_NCHUNKS = _EPW // _CHUNK
_EPAD = _NW * _EPW

_NBUF = 2
_IDXBLK = 80
_NBLK = _NCHUNKS // _IDXBLK


def _seg_sum_body(h_hbm, src_hbm, dst_hbm, zero_hbm, out_hbm, ebuf_hbm,
                  idx, hsp, gsems, ssems, rows0, rows1):
    c = lax.axis_index("c")
    s = lax.axis_index("s")
    wid = s * 2 + c
    rows = (rows0, rows1)
    tile_rows = pl.ds(s * _ROWS_PER_TILE, _ROWS_PER_TILE)
    ngroups = _IDXBLK // _NBUF

    pltpu.sync_copy(h_hbm.at[tile_rows], hsp.at[tile_rows])
    plsc.subcore_barrier()

    for blk in range(_NBLK):
        cbase = wid * _NCHUNKS + blk * _IDXBLK
        pltpu.sync_copy(src_hbm.at[pl.ds(cbase, _IDXBLK)], idx)
        for b in range(_NBUF):
            pltpu.async_copy(hsp.at[idx.at[b]], rows[b], gsems[b])

        def g_group(k, carry, cbase=cbase):
            for b in range(_NBUF):
                g = k * _NBUF + b
                pltpu.make_async_copy(hsp.at[idx.at[g]], rows[b],
                                      gsems[b]).wait()
                ebuf_rows = ebuf_hbm.at[pl.ds((cbase + g) * _CHUNK, _CHUNK)]
                pltpu.async_copy(rows[b], ebuf_rows, ssems[b])

                @pl.when(k < ngroups - 1)
                def _():
                    pltpu.make_async_copy(rows[b], ebuf_rows, ssems[b]).wait()
                    pltpu.async_copy(hsp.at[idx.at[g + _NBUF]], rows[b],
                                     gsems[b])

                @pl.when(k == ngroups - 1)
                def _():
                    pltpu.make_async_copy(rows[b], ebuf_rows, ssems[b]).wait()
            return carry

        lax.fori_loop(0, ngroups, g_group, 0)

    plsc.subcore_barrier()

    pltpu.sync_copy(zero_hbm, hsp.at[tile_rows])
    plsc.subcore_barrier()

    for blk in range(_NBLK):
        cbase = wid * _NCHUNKS + blk * _IDXBLK
        pltpu.sync_copy(dst_hbm.at[pl.ds(cbase, _IDXBLK)], idx)
        for b in range(_NBUF):
            pltpu.async_copy(ebuf_hbm.at[pl.ds((cbase + b) * _CHUNK, _CHUNK)],
                             rows[b], gsems[b])

        def s_group(k, carry, cbase=cbase):
            for b in range(_NBUF):
                g = k * _NBUF + b
                pltpu.make_async_copy(
                    ebuf_hbm.at[pl.ds((cbase + g) * _CHUNK, _CHUNK)],
                    rows[b], gsems[b]).wait()
                pltpu.sync_copy(rows[b], hsp.at[idx.at[g]], add=True)

                @pl.when(k < ngroups - 1)
                def _():
                    pltpu.async_copy(
                        ebuf_hbm.at[pl.ds((cbase + g + _NBUF) * _CHUNK,
                                          _CHUNK)],
                        rows[b], gsems[b])
            return carry

        lax.fori_loop(0, ngroups, s_group, 0)

    plsc.subcore_barrier()
    pltpu.sync_copy(hsp.at[tile_rows], out_hbm.at[c, tile_rows])


_seg_sum = pl.kernel(
    _seg_sum_body,
    out_type=[
        jax.ShapeDtypeStruct((2, _NPAD, _D), jnp.float32),
        jax.ShapeDtypeStruct((_EPAD, _D), jnp.float32),
    ],
    mesh=plsc.VectorSubcoreMesh(core_axis_name="c", subcore_axis_name="s"),
    scratch_types=[
        pltpu.VMEM((_IDXBLK, _CHUNK), jnp.int32),
        pltpu.VMEM_SHARED((_NPAD, _D), jnp.float32),
        [pltpu.SemaphoreType.DMA] * _NBUF,
        [pltpu.SemaphoreType.DMA] * _NBUF,
        pltpu.VMEM((_CHUNK, _D), jnp.float32),
        pltpu.VMEM((_CHUNK, _D), jnp.float32),
    ],
)


def _mlp_body(h_ref, p_ref, w1_ref, b1_ref, w2_ref, b2_ref, o_ref):
    z = h_ref[...] + p_ref[0] + p_ref[1]
    a = jnp.dot(z, w1_ref[...], preferred_element_type=jnp.float32) + b1_ref[...]
    a = jnp.maximum(a, 0.0)
    o_ref[...] = jnp.dot(a, w2_ref[...], preferred_element_type=jnp.float32) + b2_ref[...]


_BLK = 1280


def _mlp(h, p, w1, b1, w2, b2):
    grid = (_NPAD // _BLK,)
    row_spec = pl.BlockSpec((_BLK, _D), lambda i: (i, 0))
    p_spec = pl.BlockSpec((2, _BLK, _D), lambda i: (0, i, 0))
    full = pl.BlockSpec((_D, _D), lambda i: (0, 0))
    bias = pl.BlockSpec((1, _D), lambda i: (0, 0))
    return pl.pallas_call(
        _mlp_body,
        grid=grid,
        in_specs=[row_spec, p_spec, full, bias, full, bias],
        out_specs=row_spec,
        out_shape=jax.ShapeDtypeStruct((_NPAD, _D), jnp.float32),
    )(h, p, w1, b1, w2, b2)


def kernel(x, edge_index, W1_0, b1_0, W2_0, b2_0, W1_1, b1_1, W2_1, b2_1,
           W1_2, b1_2, W2_2, b2_2):
    src = edge_index[0]
    dst = edge_index[1]
    pad = _EPAD - _E
    src_p = jnp.concatenate([src, jnp.zeros((pad,), jnp.int32)])
    src_p = src_p.reshape(_NW * _NCHUNKS, _CHUNK)
    pad_dst = _N + jnp.arange(pad, dtype=jnp.int32) % (_NPAD - _N)
    dst_p = jnp.concatenate([dst, pad_dst])
    dst_p = dst_p.reshape(_NW * _NCHUNKS, _CHUNK)
    h = jnp.pad(x, ((0, _NPAD - _N), (0, 0)))
    zeros = jnp.zeros((_ROWS_PER_TILE, _D), jnp.float32)

    params = [(W1_0, b1_0, W2_0, b2_0), (W1_1, b1_1, W2_1, b2_1),
              (W1_2, b1_2, W2_2, b2_2)]
    for (w1, b1, w2, b2) in params:
        parts, _ = _seg_sum(h, src_p, dst_p, zeros)
        h = _mlp(h, parts, w1, b1.reshape(1, _D), w2, b2.reshape(1, _D))
    return h[:_N]

# --- scband reference (transcript-rebuilt; emitter-appended) ---
"""Pipeline reference for scband-ginencoder-83038897701199 (READ-ONLY COPY).

The authoritative reference and input builder live on the scoring server;
editing this copy changes nothing except your own understanding.
"""

import jax, jax.numpy as jnp
import numpy as np

N = 10000
E = 320000
DIN = 128
DH = 128
K = 3


def setup_inputs(seed: int = 0) -> dict:
    key = jax.random.key(seed)
    ks = jax.random.split(key, 2 + 4 * K)
    inp = {}
    inp['x'] = jax.random.normal(ks[0], (N, DIN), dtype=jnp.float32)
    inp['edge_index'] = jax.random.randint(ks[1], (2, E), 0, N, dtype=jnp.int32)
    for i in range(K):
        d_in = DIN if i == 0 else DH
        s1 = 1.0 / np.sqrt(d_in)
        s2 = 1.0 / np.sqrt(DH)
        base = 2 + 4 * i
        inp[f'W1_{i}'] = jax.random.uniform(ks[base + 0], (d_in, DH), dtype=jnp.float32, minval=-s1, maxval=s1)
        inp[f'b1_{i}'] = jax.random.uniform(ks[base + 1], (DH,), dtype=jnp.float32, minval=-s1, maxval=s1)
        inp[f'W2_{i}'] = jax.random.uniform(ks[base + 2], (DH, DH), dtype=jnp.float32, minval=-s2, maxval=s2)
        inp[f'b2_{i}'] = jax.random.uniform(ks[base + 3], (DH,), dtype=jnp.float32, minval=-s2, maxval=s2)
    return inp


def reference(x, edge_index, W1_0, b1_0, W2_0, b2_0, W1_1, b1_1, W2_1, b2_1, W1_2, b1_2, W2_2, b2_2):
    # GINConv (eps=0, not trainable): h_i = MLP((1+eps)*x_i + sum_{j->i} x_j)
    src = edge_index[0]
    dst = edge_index[1]
    params = [(W1_0, b1_0, W2_0, b2_0), (W1_1, b1_1, W2_1, b2_1), (W1_2, b1_2, W2_2, b2_2)]
    h = x
    for (W1, b1, W2, b2) in params:
        msgs = jnp.take(h, src, axis=0)            # gather source node features
        agg = jax.ops.segment_sum(msgs, dst, num_segments=N)  # scatter-add to dst nodes
        z = h + agg                                 # (1 + eps) * x + aggr, eps = 0
        h = jax.nn.relu(z @ W1 + b1) @ W2 + b2      # 2-layer MLP with ReLU
    return h

if __name__ == "__main__":
    import jax
    _d = setup_inputs()
    print(jax.jit(kernel)(*tuple(_d.values())))

</pallas_src>

<mosaic_0001>
#map = affine_map<(d0, d1) -> (0, 0)>
#map1 = affine_map<(d0, d1) -> (0, 0, 0)>
module attributes {stable_mosaic.version = 14 : i64} {
  func.func @_seg_sum_body(%arg0: i32, %arg1: i32, %arg2: memref<10240x128xf32, #tpu.memory_space<hbm>>, %arg3: memref<2560x128xi32, #tpu.memory_space<hbm>>, %arg4: memref<2560x128xi32, #tpu.memory_space<hbm>>, %arg5: memref<640x128xf32, #tpu.memory_space<hbm>>, %arg6: memref<2x10240x128xf32, #tpu.memory_space<hbm>>, %arg7: memref<327680x128xf32, #tpu.memory_space<hbm>>, %arg8: memref<80x128xi32, #tpu.memory_space<vmem>>, %arg9: memref<10240x128xf32, #tpu.memory_space<vmem_shared>>, %arg10: memref<!tpu.dma_semaphore, #tpu.memory_space<semaphore_mem>>, %arg11: memref<!tpu.dma_semaphore, #tpu.memory_space<semaphore_mem>>, %arg12: memref<!tpu.dma_semaphore, #tpu.memory_space<semaphore_mem>>, %arg13: memref<!tpu.dma_semaphore, #tpu.memory_space<semaphore_mem>>, %arg14: memref<128x128xf32, #tpu.memory_space<vmem>>, %arg15: memref<128x128xf32, #tpu.memory_space<vmem>>) attributes {dimension_semantics = [#tpu.dimension_semantics<core_parallel>, #tpu.dimension_semantics<subcore_parallel>], iteration_bounds = array<i64: 2, 16>, scalar_prefetch = 0 : i64, scratch_operands = 8 : i64, tpu.core_type = #tpu.core_type<sc_vector_subcore>, window_params = [{transform_indices = #map}, {transform_indices = #map}, {transform_indices = #map}, {transform_indices = #map}, {transform_indices = #map1}, {transform_indices = #map}]} {
    %mul3A = arith.constant 2 : i32
    %mul3A_0 = arith.muli %arg1, %mul3A : i32
    %add3A = arith.addi %mul3A_0, %arg0 : i32
    %mul3A_1 = arith.constant 640 : i32
    %mul3A_2 = arith.muli %arg1, %mul3A_1 : i32
    "tpu.region"() ({
      %run_scoped3A = tpu.sem_alloc : memref<!tpu.dma_semaphore, #tpu.memory_space<semaphore_mem>>
      %dma_start3A_54 = arith.constant 0 : i32
      %dma_start3A_55 = tpu.memref_slice %arg9[%mul3A_2, %dma_start3A_54] : memref<10240x128xf32, #tpu.memory_space<vmem_shared>> -> memref<640x128xf32, #tpu.memory_space<vmem_shared>>
      %dma_start3A_56 = arith.constant 0 : i32
      %dma_start3A_57 = tpu.memref_slice %arg2[%mul3A_2, %dma_start3A_56] : memref<10240x128xf32, #tpu.memory_space<hbm>> -> memref<640x128xf32, #tpu.memory_space<hbm>>
      tpu.enqueue_dma source(%dma_start3A_57 : memref<640x128xf32, #tpu.memory_space<hbm>>) target(%dma_start3A_55 : memref<640x128xf32, #tpu.memory_space<vmem_shared>>) target_semaphore(%run_scoped3A : memref<!tpu.dma_semaphore, #tpu.memory_space<semaphore_mem>>)
      %dma_wait3A = arith.constant 0 : i32
      %dma_wait3A_58 = tpu.memref_slice %arg9[%mul3A_2, %dma_wait3A] : memref<10240x128xf32, #tpu.memory_space<vmem_shared>> -> memref<640x128xf32, #tpu.memory_space<vmem_shared>>
      %dma_wait3A_59 = arith.constant 0 : i32
      %dma_wait3A_60 = tpu.memref_slice %arg2[%mul3A_2, %dma_wait3A_59] : memref<10240x128xf32, #tpu.memory_space<hbm>> -> memref<640x128xf32, #tpu.memory_space<hbm>>
      tpu.wait_dma2 semaphore(%run_scoped3A : memref<!tpu.dma_semaphore, #tpu.memory_space<semaphore_mem>>) src(%dma_wait3A_60 : memref<640x128xf32, #tpu.memory_space<hbm>>) dst(%dma_wait3A_58 : memref<640x128xf32, #tpu.memory_space<vmem_shared>>)
      tpu.yield
    }) : () -> ()
    %barrier3A = arith.constant 0 : index
    tpu.barrier barrier_id(%barrier3A)
    %mul3A_3 = arith.constant 80 : i32
    %mul3A_4 = arith.muli %add3A, %mul3A_3 : i32
    %add3A_5 = arith.constant 0 : i32
    %add3A_6 = arith.addi %mul3A_4, %add3A_5 : i32
    "tpu.region"() ({
      %run_scoped3A = tpu.sem_alloc : memref<!tpu.dma_semaphore, #tpu.memory_space<semaphore_mem>>
      %dma_start3A_54 = arith.constant 0 : i32
      %dma_start3A_55 = tpu.memref_slice %arg3[%add3A_6, %dma_start3A_54] : memref<2560x128xi32, #tpu.memory_space<hbm>> -> memref<80x128xi32, #tpu.memory_space<hbm>>
      %dma_start3A_56 = arith.constant 0 : i32
      %dma_start3A_57 = tpu.memref_slice %arg3[%add3A_6, %dma_start3A_56] : memref<2560x128xi32, #tpu.memory_space<hbm>> -> memref<80x128xi32, #tpu.memory_space<hbm>>
      tpu.enqueue_dma source(%dma_start3A_57 : memref<80x128xi32, #tpu.memory_space<hbm>>) target(%arg8 : memref<80x128xi32, #tpu.memory_space<vmem>>) target_semaphore(%run_scoped3A : memref<!tpu.dma_semaphore, #tpu.memory_space<semaphore_mem>>)
      %dma_wait3A = arith.constant 0 : i32
      %dma_wait3A_58 = tpu.memref_slice %arg3[%add3A_6, %dma_wait3A] : memref<2560x128xi32, #tpu.memory_space<hbm>> -> memref<80x128xi32, #tpu.memory_space<hbm>>
      %dma_wait3A_59 = arith.constant 0 : i32
      %dma_wait3A_60 = tpu.memref_slice %arg3[%add3A_6, %dma_wait3A_59] : memref<2560x128xi32, #tpu.memory_space<hbm>> -> memref<80x128xi32, #tpu.memory_space<hbm>>
      tpu.wait_dma2 semaphore(%run_scoped3A : memref<!tpu.dma_semaphore, #tpu.memory_space<semaphore_mem>>) src(%dma_wait3A_60 : memref<80x128xi32, #tpu.memory_space<hbm>>) dst(%arg8 : memref<80x128xi32, #tpu.memory_space<vmem>>)
      tpu.yield
    }) : () -> ()
    %dma_start3A = arith.constant 0 : i32
    %dma_start3A_7 = arith.constant 0 : i32
    %dma_start3A_8 = tpu.memref_slice %arg8[%dma_start3A, %dma_start3A_7] : memref<80x128xi32, #tpu.memory_space<vmem>> -> memref<1x128xi32, #tpu.memory_space<vmem>>
    %dma_start3A_9 = tpu.memref_squeeze %dma_start3A_8 : memref<1x128xi32, #tpu.memory_space<vmem>> -> memref<128xi32, #tpu.memory_space<vmem>>
    %dma_start3A_10 = arith.constant 0 : i32
    %dma_start3A_11 = arith.constant 0 : i32
    %dma_start3A_12 = tpu.memref_slice %arg9[%dma_start3A_10, %dma_start3A_11] : memref<10240x128xf32, #tpu.memory_space<vmem_shared>> -> memref<10240x128xf32, #tpu.memory_space<vmem_shared>>
    tpu.enqueue_indirect_dma source(%dma_start3A_12 : memref<10240x128xf32, #tpu.memory_space<vmem_shared>>) target(%arg14 : memref<128x128xf32, #tpu.memory_space<vmem>>) offsets(%dma_start3A_9 : memref<128xi32, #tpu.memory_space<vmem>>) semaphore(%arg10 : memref<!tpu.dma_semaphore, #tpu.memory_space<semaphore_mem>>)
    %dma_start3A_13 = arith.constant 1 : i32
    %dma_start3A_14 = arith.constant 0 : i32
    %dma_start3A_15 = tpu.memref_slice %arg8[%dma_start3A_13, %dma_start3A_14] : memref<80x128xi32, #tpu.memory_space<vmem>> -> memref<1x128xi32, #tpu.memory_space<vmem>>
    %dma_start3A_16 = tpu.memref_squeeze %dma_start3A_15 : memref<1x128xi32, #tpu.memory_space<vmem>> -> memref<128xi32, #tpu.memory_space<vmem>>
    %dma_start3A_17 = arith.constant 0 : i32
    %dma_start3A_18 = arith.constant 0 : i32
    %dma_start3A_19 = tpu.memref_slice %arg9[%dma_start3A_17, %dma_start3A_18] : memref<10240x128xf32, #tpu.memory_space<vmem_shared>> -> memref<10240x128xf32, #tpu.memory_space<vmem_shared>>
    tpu.enqueue_indirect_dma source(%dma_start3A_19 : memref<10240x128xf32, #tpu.memory_space<vmem_shared>>) target(%arg15 : memref<128x128xf32, #tpu.memory_space<vmem>>) offsets(%dma_start3A_16 : memref<128xi32, #tpu.memory_space<vmem>>) semaphore(%arg11 : memref<!tpu.dma_semaphore, #tpu.memory_space<semaphore_mem>>)
    %scan3A = arith.constant 0 : i32
    %scan3A_20 = arith.constant 0 : i32
    %scan3A_21 = arith.constant 40 : i32
    %scan3A_22 = arith.addi %scan3A_20, %scan3A_21 : i32
    %scan3A_23 = arith.constant 1 : i32
    scf.for %scan3A_54 = %scan3A_20 to %scan3A_22 step %scan3A_23  : i32 {
      %mul3A_55 = arith.constant 2 : i32
      %mul3A_56 = arith.muli %scan3A_54, %mul3A_55 : i32
      %add3A_57 = arith.constant 0 : i32
      %add3A_58 = arith.addi %mul3A_56, %add3A_57 : i32
      %dma_wait3A = arith.constant 0 : i32
      %dma_wait3A_59 = tpu.memref_slice %arg8[%add3A_58, %dma_wait3A] : memref<80x128xi32, #tpu.memory_space<vmem>> -> memref<1x128xi32, #tpu.memory_space<vmem>>
      %dma_wait3A_60 = tpu.memref_squeeze %dma_wait3A_59 : memref<1x128xi32, #tpu.memory_space<vmem>> -> memref<128xi32, #tpu.memory_space<vmem>>
      %dma_wait3A_61 = arith.constant 0 : i32
      %dma_wait3A_62 = arith.constant 0 : i32
      %dma_wait3A_63 = tpu.memref_slice %arg9[%dma_wait3A_61, %dma_wait3A_62] : memref<10240x128xf32, #tpu.memory_space<vmem_shared>> -> memref<10240x128xf32, #tpu.memory_space<vmem_shared>>
      tpu.wait_indirect_dma semaphore(%arg10 : memref<!tpu.dma_semaphore, #tpu.memory_space<semaphore_mem>>) src(%dma_wait3A_63 : memref<10240x128xf32, #tpu.memory_space<vmem_shared>>) dst(%arg14 : memref<128x128xf32, #tpu.memory_space<vmem>>)
      %add3A_64 = arith.addi %add3A_6, %add3A_58 : i32
      %mul3A_65 = arith.constant 128 : i32
      %mul3A_66 = arith.muli %add3A_64, %mul3A_65 : i32
      %dma_start3A_67 = arith.constant 0 : i32
      %dma_start3A_68 = tpu.memref_slice %arg7[%mul3A_66, %dma_start3A_67] : memref<327680x128xf32, #tpu.memory_space<hbm>> -> memref<128x128xf32, #tpu.memory_space<hbm>>
      %dma_start3A_69 = arith.constant 0 : i32
      %dma_start3A_70 = tpu.memref_slice %arg7[%mul3A_66, %dma_start3A_69] : memref<327680x128xf32, #tpu.memory_space<hbm>> -> memref<128x128xf32, #tpu.memory_space<hbm>>
      tpu.enqueue_dma source(%arg14 : memref<128x128xf32, #tpu.memory_space<vmem>>) target(%dma_start3A_70 : memref<128x128xf32, #tpu.memory_space<hbm>>) target_semaphore(%arg12 : memref<!tpu.dma_semaphore, #tpu.memory_space<semaphore_mem>>)
      %lt3A = arith.constant 39 : i32
      %lt3A_71 = arith.cmpi slt, %scan3A_54, %lt3A : i32
      %convert_element_type3A = arith.extui %lt3A_71 : i1 to i32
      %cond3A = arith.constant 0 : i32
      %cond3A_72 = arith.cmpi ne, %convert_element_type3A, %cond3A : i32
      scf.if %cond3A_72 {
        %dma_wait3A_104 = arith.constant 0 : i32
        %dma_wait3A_105 = tpu.memref_slice %arg7[%mul3A_66, %dma_wait3A_104] : memref<327680x128xf32, #tpu.memory_space<hbm>> -> memref<128x128xf32, #tpu.memory_space<hbm>>
        %dma_wait3A_106 = arith.constant 0 : i32
        %dma_wait3A_107 = tpu.memref_slice %arg7[%mul3A_66, %dma_wait3A_106] : memref<327680x128xf32, #tpu.memory_space<hbm>> -> memref<128x128xf32, #tpu.memory_space<hbm>>
        tpu.wait_dma2 semaphore(%arg12 : memref<!tpu.dma_semaphore, #tpu.memory_space<semaphore_mem>>) src(%arg14 : memref<128x128xf32, #tpu.memory_space<vmem>>) dst(%dma_wait3A_107 : memref<128x128xf32, #tpu.memory_space<hbm>>)
        %add3A_108 = arith.constant 2 : i32
        %add3A_109 = arith.addi %add3A_58, %add3A_108 : i32
        %dma_start3A_110 = arith.constant 0 : i32
        %dma_start3A_111 = tpu.memref_slice %arg8[%add3A_109, %dma_start3A_110] : memref<80x128xi32, #tpu.memory_space<vmem>> -> memref<1x128xi32, #tpu.memory_space<vmem>>
        %dma_start3A_112 = tpu.memref_squeeze %dma_start3A_111 : memref<1x128xi32, #tpu.memory_space<vmem>> -> memref<128xi32, #tpu.memory_space<vmem>>
        %dma_start3A_113 = arith.constant 0 : i32
        %dma_start3A_114 = arith.constant 0 : i32
        %dma_start3A_115 = tpu.memref_slice %arg9[%dma_start3A_113, %dma_start3A_114] : memref<10240x128xf32, #tpu.memory_space<vmem_shared>> -> memref<10240x128xf32, #tpu.memory_space<vmem_shared>>
        tpu.enqueue_indirect_dma source(%dma_start3A_115 : memref<10240x128xf32, #tpu.memory_space<vmem_shared>>) target(%arg14 : memref<128x128xf32, #tpu.memory_space<vmem>>) offsets(%dma_start3A_112 : memref<128xi32, #tpu.memory_space<vmem>>) semaphore(%arg10 : memref<!tpu.dma_semaphore, #tpu.memory_space<semaphore_mem>>)
      } else {
      }
      %eq3A = arith.constant 39 : i32
      %eq3A_73 = arith.cmpi eq, %scan3A_54, %eq3A : i32
      %convert_element_type3A_74 = arith.extui %eq3A_73 : i1 to i32
      %cond3A_75 = arith.constant 0 : i32
      %cond3A_76 = arith.cmpi ne, %convert_element_type3A_74, %cond3A_75 : i32
      scf.if %cond3A_76 {
        %dma_wait3A_104 = arith.constant 0 : i32
        %dma_wait3A_105 = tpu.memref_slice %arg7[%mul3A_66, %dma_wait3A_104] : memref<327680x128xf32, #tpu.memory_space<hbm>> -> memref<128x128xf32, #tpu.memory_space<hbm>>
        %dma_wait3A_106 = arith.constant 0 : i32
        %dma_wait3A_107 = tpu.memref_slice %arg7[%mul3A_66, %dma_wait3A_106] : memref<327680x128xf32, #tpu.memory_space<hbm>> -> memref<128x128xf32, #tpu.memory_space<hbm>>
        tpu.wait_dma2 semaphore(%arg12 : memref<!tpu.dma_semaphore, #tpu.memory_space<semaphore_mem>>) src(%arg14 : memref<128x128xf32, #tpu.memory_space<vmem>>) dst(%dma_wait3A_107 : memref<128x128xf32, #tpu.memory_space<hbm>>)
      } else {
      }
      %mul3A_77 = arith.constant 2 : i32
      %mul3A_78 = arith.muli %scan3A_54, %mul3A_77 : i32
      %add3A_79 = arith.constant 1 : i32
      %add3A_80 = arith.addi %mul3A_78, %add3A_79 : i32
      %dma_wait3A_81 = arith.constant 0 : i32
      %dma_wait3A_82 = tpu.memref_slice %arg8[%add3A_80, %dma_wait3A_81] : memref<80x128xi32, #tpu.memory_space<vmem>> -> memref<1x128xi32, #tpu.memory_space<vmem>>
      %dma_wait3A_83 = tpu.memref_squeeze %dma_wait3A_82 : memref<1x128xi32, #tpu.memory_space<vmem>> -> memref<128xi32, #tpu.memory_space<vmem>>
      %dma_wait3A_84 = arith.constant 0 : i32
      %dma_wait3A_85 = arith.constant 0 : i32
      %dma_wait3A_86 = tpu.memref_slice %arg9[%dma_wait3A_84, %dma_wait3A_85] : memref<10240x128xf32, #tpu.memory_space<vmem_shared>> -> memref<10240x128xf32, #tpu.memory_space<vmem_shared>>
      tpu.wait_indirect_dma semaphore(%arg11 : memref<!tpu.dma_semaphore, #tpu.memory_space<semaphore_mem>>) src(%dma_wait3A_86 : memref<10240x128xf32, #tpu.memory_space<vmem_shared>>) dst(%arg15 : memref<128x128xf32, #tpu.memory_space<vmem>>)
      %add3A_87 = arith.addi %add3A_6, %add3A_80 : i32
      %mul3A_88 = arith.constant 128 : i32
      %mul3A_89 = arith.muli %add3A_87, %mul3A_88 : i32
      %dma_start3A_90 = arith.constant 0 : i32
      %dma_start3A_91 = tpu.memref_slice %arg7[%mul3A_89, %dma_start3A_90] : memref<327680x128xf32, #tpu.memory_space<hbm>> -> memref<128x128xf32, #tpu.memory_space<hbm>>
      %dma_start3A_92 = arith.constant 0 : i32
      %dma_start3A_93 = tpu.memref_slice %arg7[%mul3A_89, %dma_start3A_92] : memref<327680x128xf32, #tpu.memory_space<hbm>> -> memref<128x128xf32, #tpu.memory_space<hbm>>
      tpu.enqueue_dma source(%arg15 : memref<128x128xf32, #tpu.memory_space<vmem>>) target(%dma_start3A_93 : memref<128x128xf32, #tpu.memory_space<hbm>>) target_semaphore(%arg13 : memref<!tpu.dma_semaphore, #tpu.memory_space<semaphore_mem>>)
      %lt3A_94 = arith.constant 39 : i32
      %lt3A_95 = arith.cmpi slt, %scan3A_54, %lt3A_94 : i32
      %convert_element_type3A_96 = arith.extui %lt3A_95 : i1 to i32
      %cond3A_97 = arith.constant 0 : i32
      %cond3A_98 = arith.cmpi ne, %convert_element_type3A_96, %cond3A_97 : i32
      scf.if %cond3A_98 {
        %dma_wait3A_104 = arith.constant 0 : i32
        %dma_wait3A_105 = tpu.memref_slice %arg7[%mul3A_89, %dma_wait3A_104] : memref<327680x128xf32, #tpu.memory_space<hbm>> -> memref<128x128xf32, #tpu.memory_space<hbm>>
        %dma_wait3A_106 = arith.constant 0 : i32
        %dma_wait3A_107 = tpu.memref_slice %arg7[%mul3A_89, %dma_wait3A_106] : memref<327680x128xf32, #tpu.memory_space<hbm>> -> memref<128x128xf32, #tpu.memory_space<hbm>>
        tpu.wait_dma2 semaphore(%arg13 : memref<!tpu.dma_semaphore, #tpu.memory_space<semaphore_mem>>) src(%arg15 : memref<128x128xf32, #tpu.memory_space<vmem>>) dst(%dma_wait3A_107 : memref<128x128xf32, #tpu.memory_space<hbm>>)
        %add3A_108 = arith.constant 2 : i32
        %add3A_109 = arith.addi %add3A_80, %add3A_108 : i32
        %dma_start3A_110 = arith.constant 0 : i32
        %dma_start3A_111 = tpu.memref_slice %arg8[%add3A_109, %dma_start3A_110] : memref<80x128xi32, #tpu.memory_space<vmem>> -> memref<1x128xi32, #tpu.memory_space<vmem>>
        %dma_start3A_112 = tpu.memref_squeeze %dma_start3A_111 : memref<1x128xi32, #tpu.memory_space<vmem>> -> memref<128xi32, #tpu.memory_space<vmem>>
        %dma_start3A_113 = arith.constant 0 : i32
        %dma_start3A_114 = arith.constant 0 : i32
        %dma_start3A_115 = tpu.memref_slice %arg9[%dma_start3A_113, %dma_start3A_114] : memref<10240x128xf32, #tpu.memory_space<vmem_shared>> -> memref<10240x128xf32, #tpu.memory_space<vmem_shared>>
        tpu.enqueue_indirect_dma source(%dma_start3A_115 : memref<10240x128xf32, #tpu.memory_space<vmem_shared>>) target(%arg15 : memref<128x128xf32, #tpu.memory_space<vmem>>) offsets(%dma_start3A_112 : memref<128xi32, #tpu.memory_space<vmem>>) semaphore(%arg11 : memref<!tpu.dma_semaphore, #tpu.memory_space<semaphore_mem>>)
      } else {
      }
      %eq3A_99 = arith.constant 39 : i32
      %eq3A_100 = arith.cmpi eq, %scan3A_54, %eq3A_99 : i32
      %convert_element_type3A_101 = arith.extui %eq3A_100 : i1 to i32
      %cond3A_102 = arith.constant 0 : i32
      %cond3A_103 = arith.cmpi ne, %convert_element_type3A_101, %cond3A_102 : i32
      scf.if %cond3A_103 {
        %dma_wait3A_104 = arith.constant 0 : i32
        %dma_wait3A_105 = tpu.memref_slice %arg7[%mul3A_89, %dma_wait3A_104] : memref<327680x128xf32, #tpu.memory_space<hbm>> -> memref<128x128xf32, #tpu.memory_space<hbm>>
        %dma_wait3A_106 = arith.constant 0 : i32
        %dma_wait3A_107 = tpu.memref_slice %arg7[%mul3A_89, %dma_wait3A_106] : memref<327680x128xf32, #tpu.memory_space<hbm>> -> memref<128x128xf32, #tpu.memory_space<hbm>>
        tpu.wait_dma2 semaphore(%arg13 : memref<!tpu.dma_semaphore, #tpu.memory_space<semaphore_mem>>) src(%arg15 : memref<128x128xf32, #tpu.memory_space<vmem>>) dst(%dma_wait3A_107 : memref<128x128xf32, #tpu.memory_space<hbm>>)
      } else {
      }
    }
    %scan3A_24 = arith.constant 40 : i32
    %barrier3A_25 = arith.constant 0 : index
    tpu.barrier barrier_id(%barrier3A_25)
    "tpu.region"() ({
      %run_scoped3A = tpu.sem_alloc : memref<!tpu.dma_semaphore, #tpu.memory_space<semaphore_mem>>
      %dma_start3A_54 = arith.constant 0 : i32
      %dma_start3A_55 = tpu.memref_slice %arg9[%mul3A_2, %dma_start3A_54] : memref<10240x128xf32, #tpu.memory_space<vmem_shared>> -> memref<640x128xf32, #tpu.memory_space<vmem_shared>>
      tpu.enqueue_dma source(%arg5 : memref<640x128xf32, #tpu.memory_space<hbm>>) target(%dma_start3A_55 : memref<640x128xf32, #tpu.memory_space<vmem_shared>>) target_semaphore(%run_scoped3A : memref<!tpu.dma_semaphore, #tpu.memory_space<semaphore_mem>>)
      %dma_wait3A = arith.constant 0 : i32
      %dma_wait3A_56 = tpu.memref_slice %arg9[%mul3A_2, %dma_wait3A] : memref<10240x128xf32, #tpu.memory_space<vmem_shared>> -> memref<640x128xf32, #tpu.memory_space<vmem_shared>>
      tpu.wait_dma2 semaphore(%run_scoped3A : memref<!tpu.dma_semaphore, #tpu.memory_space<semaphore_mem>>) src(%arg5 : memref<640x128xf32, #tpu.memory_space<hbm>>) dst(%dma_wait3A_56 : memref<640x128xf32, #tpu.memory_space<vmem_shared>>)
      tpu.yield
    }) : () -> ()
    %barrier3A_26 = arith.constant 0 : index
    tpu.barrier barrier_id(%barrier3A_26)
    %mul3A_27 = arith.constant 80 : i32
    %mul3A_28 = arith.muli %add3A, %mul3A_27 : i32
    %add3A_29 = arith.constant 0 : i32
    %add3A_30 = arith.addi %mul3A_28, %add3A_29 : i32
    "tpu.region"() ({
      %run_scoped3A = tpu.sem_alloc : memref<!tpu.dma_semaphore, #tpu.memory_space<semaphore_mem>>
      %dma_start3A_54 = arith.constant 0 : i32
      %dma_start3A_55 = tpu.memref_slice %arg4[%add3A_30, %dma_start3A_54] : memref<2560x128xi32, #tpu.memory_space<hbm>> -> memref<80x128xi32, #tpu.memory_space<hbm>>
      %dma_start3A_56 = arith.constant 0 : i32
      %dma_start3A_57 = tpu.memref_slice %arg4[%add3A_30, %dma_start3A_56] : memref<2560x128xi32, #tpu.memory_space<hbm>> -> memref<80x128xi32, #tpu.memory_space<hbm>>
      tpu.enqueue_dma source(%dma_start3A_57 : memref<80x128xi32, #tpu.memory_space<hbm>>) target(%arg8 : memref<80x128xi32, #tpu.memory_space<vmem>>) target_semaphore(%run_scoped3A : memref<!tpu.dma_semaphore, #tpu.memory_space<semaphore_mem>>)
      %dma_wait3A = arith.constant 0 : i32
      %dma_wait3A_58 = tpu.memref_slice %arg4[%add3A_30, %dma_wait3A] : memref<2560x128xi32, #tpu.memory_space<hbm>> -> memref<80x128xi32, #tpu.memory_space<hbm>>
      %dma_wait3A_59 = arith.constant 0 : i32
      %dma_wait3A_60 = tpu.memref_slice %arg4[%add3A_30, %dma_wait3A_59] : memref<2560x128xi32, #tpu.memory_space<hbm>> -> memref<80x128xi32, #tpu.memory_space<hbm>>
      tpu.wait_dma2 semaphore(%run_scoped3A : memref<!tpu.dma_semaphore, #tpu.memory_space<semaphore_mem>>) src(%dma_wait3A_60 : memref<80x128xi32, #tpu.memory_space<hbm>>) dst(%arg8 : memref<80x128xi32, #tpu.memory_space<vmem>>)
      tpu.yield
    }) : () -> ()
    %add3A_31 = arith.constant 0 : i32
    %add3A_32 = arith.addi %add3A_30, %add3A_31 : i32
    %mul3A_33 = arith.constant 128 : i32
    %mul3A_34 = arith.muli %add3A_32, %mul3A_33 : i32
    %dma_start3A_35 = arith.constant 0 : i32
    %dma_start3A_36 = tpu.memref_slice %arg7[%mul3A_34, %dma_start3A_35] : memref<327680x128xf32, #tpu.memory_space<hbm>> -> memref<128x128xf32, #tpu.memory_space<hbm>>
    %dma_start3A_37 = arith.constant 0 : i32
    %dma_start3A_38 = tpu.memref_slice %arg7[%mul3A_34, %dma_start3A_37] : memref<327680x128xf32, #tpu.memory_space<hbm>> -> memref<128x128xf32, #tpu.memory_space<hbm>>
    tpu.enqueue_dma source(%dma_start3A_38 : memref<128x128xf32, #tpu.memory_space<hbm>>) target(%arg14 : memref<128x128xf32, #tpu.memory_space<vmem>>) target_semaphore(%arg10 : memref<!tpu.dma_semaphore, #tpu.memory_space<semaphore_mem>>)
    %add3A_39 = arith.constant 1 : i32
    %add3A_40 = arith.addi %add3A_30, %add3A_39 : i32
    %mul3A_41 = arith.constant 128 : i32
    %mul3A_42 = arith.muli %add3A_40, %mul3A_41 : i32
    %dma_start3A_43 = arith.constant 0 : i32
    %dma_start3A_44 = tpu.memref_slice %arg7[%mul3A_42, %dma_start3A_43] : memref<327680x128xf32, #tpu.memory_space<hbm>> -> memref<128x128xf32, #tpu.memory_space<hbm>>
    %dma_start3A_45 = arith.constant 0 : i32
    %dma_start3A_46 = tpu.memref_slice %arg7[%mul3A_42, %dma_start3A_45] : memref<327680x128xf32, #tpu.memory_space<hbm>> -> memref<128x128xf32, #tpu.memory_space<hbm>>
    tpu.enqueue_dma source(%dma_start3A_46 : memref<128x128xf32, #tpu.memory_space<hbm>>) target(%arg15 : memref<128x128xf32, #tpu.memory_space<vmem>>) target_semaphore(%arg11 : memref<!tpu.dma_semaphore, #tpu.memory_space<semaphore_mem>>)
    %scan3A_47 = arith.constant 0 : i32
    %scan3A_48 = arith.constant 0 : i32
    %scan3A_49 = arith.constant 40 : i32
    %scan3A_50 = arith.addi %scan3A_48, %scan3A_49 : i32
    %scan3A_51 = arith.constant 1 : i32
    scf.for %scan3A_54 = %scan3A_48 to %scan3A_50 step %scan3A_51  : i32 {
      %mul3A_55 = arith.constant 2 : i32
      %mul3A_56 = arith.muli %scan3A_54, %mul3A_55 : i32
      %add3A_57 = arith.constant 0 : i32
      %add3A_58 = arith.addi %mul3A_56, %add3A_57 : i32
      %add3A_59 = arith.addi %add3A_30, %add3A_58 : i32
      %mul3A_60 = arith.constant 128 : i32
      %mul3A_61 = arith.muli %add3A_59, %mul3A_60 : i32
      %dma_wait3A = arith.constant 0 : i32
      %dma_wait3A_62 = tpu.memref_slice %arg7[%mul3A_61, %dma_wait3A] : memref<327680x128xf32, #tpu.memory_space<hbm>> -> memref<128x128xf32, #tpu.memory_space<hbm>>
      %dma_wait3A_63 = arith.constant 0 : i32
      %dma_wait3A_64 = tpu.memref_slice %arg7[%mul3A_61, %dma_wait3A_63] : memref<327680x128xf32, #tpu.memory_space<hbm>> -> memref<128x128xf32, #tpu.memory_space<hbm>>
      tpu.wait_dma2 semaphore(%arg10 : memref<!tpu.dma_semaphore, #tpu.memory_space<semaphore_mem>>) src(%dma_wait3A_64 : memref<128x128xf32, #tpu.memory_space<hbm>>) dst(%arg14 : memref<128x128xf32, #tpu.memory_space<vmem>>)
      "tpu.region"() ({
        %run_scoped3A = tpu.sem_alloc : memref<!tpu.dma_semaphore, #tpu.memory_space<semaphore_mem>>
        %dma_start3A_83 = arith.constant 0 : i32
        %dma_start3A_84 = tpu.memref_slice %arg8[%add3A_58, %dma_start3A_83] : memref<80x128xi32, #tpu.memory_space<vmem>> -> memref<1x128xi32, #tpu.memory_space<vmem>>
        %dma_start3A_85 = tpu.memref_squeeze %dma_start3A_84 : memref<1x128xi32, #tpu.memory_space<vmem>> -> memref<128xi32, #tpu.memory_space<vmem>>
        %dma_start3A_86 = arith.constant 0 : i32
        %dma_start3A_87 = arith.constant 0 : i32
        %dma_start3A_88 = tpu.memref_slice %arg9[%dma_start3A_86, %dma_start3A_87] : memref<10240x128xf32, #tpu.memory_space<vmem_shared>> -> memref<10240x128xf32, #tpu.memory_space<vmem_shared>>
        tpu.enqueue_indirect_dma source(%arg14 : memref<128x128xf32, #tpu.memory_space<vmem>>) target(%dma_start3A_88 : memref<10240x128xf32, #tpu.memory_space<vmem_shared>>) offsets(%dma_start3A_85 : memref<128xi32, #tpu.memory_space<vmem>>) semaphore(%run_scoped3A : memref<!tpu.dma_semaphore, #tpu.memory_space<semaphore_mem>>) {add = true}
        %dma_wait3A_89 = arith.constant 0 : i32
        %dma_wait3A_90 = tpu.memref_slice %arg8[%add3A_58, %dma_wait3A_89] : memref<80x128xi32, #tpu.memory_space<vmem>> -> memref<1x128xi32, #tpu.memory_space<vmem>>
        %dma_wait3A_91 = tpu.memref_squeeze %dma_wait3A_90 : memref<1x128xi32, #tpu.memory_space<vmem>> -> memref<128xi32, #tpu.memory_space<vmem>>
        %dma_wait3A_92 = arith.constant 0 : i32
        %dma_wait3A_93 = arith.constant 0 : i32
        %dma_wait3A_94 = tpu.memref_slice %arg9[%dma_wait3A_92, %dma_wait3A_93] : memref<10240x128xf32, #tpu.memory_space<vmem_shared>> -> memref<10240x128xf32, #tpu.memory_space<vmem_shared>>
        tpu.wait_indirect_dma semaphore(%run_scoped3A : memref<!tpu.dma_semaphore, #tpu.memory_space<semaphore_mem>>) src(%arg14 : memref<128x128xf32, #tpu.memory_space<vmem>>) dst(%dma_wait3A_94 : memref<10240x128xf32, #tpu.memory_space<vmem_shared>>)
        tpu.yield
      }) : () -> ()
      %lt3A = arith.constant 39 : i32
      %lt3A_65 = arith.cmpi slt, %scan3A_54, %lt3A : i32
      %convert_element_type3A = arith.extui %lt3A_65 : i1 to i32
      %cond3A = arith.constant 0 : i32
      %cond3A_66 = arith.cmpi ne, %convert_element_type3A, %cond3A : i32
      scf.if %cond3A_66 {
        %add3A_83 = arith.addi %add3A_30, %add3A_58 : i32
        %add3A_84 = arith.constant 2 : i32
        %add3A_85 = arith.addi %add3A_83, %add3A_84 : i32
        %mul3A_86 = arith.constant 128 : i32
        %mul3A_87 = arith.muli %add3A_85, %mul3A_86 : i32
        %dma_start3A_88 = arith.constant 0 : i32
        %dma_start3A_89 = tpu.memref_slice %arg7[%mul3A_87, %dma_start3A_88] : memref<327680x128xf32, #tpu.memory_space<hbm>> -> memref<128x128xf32, #tpu.memory_space<hbm>>
        %dma_start3A_90 = arith.constant 0 : i32
        %dma_start3A_91 = tpu.memref_slice %arg7[%mul3A_87, %dma_start3A_90] : memref<327680x128xf32, #tpu.memory_space<hbm>> -> memref<128x128xf32, #tpu.memory_space<hbm>>
        tpu.enqueue_dma source(%dma_start3A_91 : memref<128x128xf32, #tpu.memory_space<hbm>>) target(%arg14 : memref<128x128xf32, #tpu.memory_space<vmem>>) target_semaphore(%arg10 : memref<!tpu.dma_semaphore, #tpu.memory_space<semaphore_mem>>)
      } else {
      }
      %mul3A_67 = arith.constant 2 : i32
      %mul3A_68 = arith.muli %scan3A_54, %mul3A_67 : i32
      %add3A_69 = arith.constant 1 : i32
      %add3A_70 = arith.addi %mul3A_68, %add3A_69 : i32
      %add3A_71 = arith.addi %add3A_30, %add3A_70 : i32
      %mul3A_72 = arith.constant 128 : i32
      %mul3A_73 = arith.muli %add3A_71, %mul3A_72 : i32
      %dma_wait3A_74 = arith.constant 0 : i32
      %dma_wait3A_75 = tpu.memref_slice %arg7[%mul3A_73, %dma_wait3A_74] : memref<327680x128xf32, #tpu.memory_space<hbm>> -> memref<128x128xf32, #tpu.memory_space<hbm>>
      %dma_wait3A_76 = arith.constant 0 : i32
      %dma_wait3A_77 = tpu.memref_slice %arg7[%mul3A_73, %dma_wait3A_76] : memref<327680x128xf32, #tpu.memory_space<hbm>> -> memref<128x128xf32, #tpu.memory_space<hbm>>
      tpu.wait_dma2 semaphore(%arg11 : memref<!tpu.dma_semaphore, #tpu.memory_space<semaphore_mem>>) src(%dma_wait3A_77 : memref<128x128xf32, #tpu.memory_space<hbm>>) dst(%arg15 : memref<128x128xf32, #tpu.memory_space<vmem>>)
      "tpu.region"() ({
        %run_scoped3A = tpu.sem_alloc : memref<!tpu.dma_semaphore, #tpu.memory_space<semaphore_mem>>
        %dma_start3A_83 = arith.constant 0 : i32
        %dma_start3A_84 = tpu.memref_slice %arg8[%add3A_70, %dma_start3A_83] : memref<80x128xi32, #tpu.memory_space<vmem>> -> memref<1x128xi32, #tpu.memory_space<vmem>>
        %dma_start3A_85 = tpu.memref_squeeze %dma_start3A_84 : memref<1x128xi32, #tpu.memory_space<vmem>> -> memref<128xi32, #tpu.memory_space<vmem>>
        %dma_start3A_86 = arith.constant 0 : i32
        %dma_start3A_87 = arith.constant 0 : i32
        %dma_start3A_88 = tpu.memref_slice %arg9[%dma_start3A_86, %dma_start3A_87] : memref<10240x128xf32, #tpu.memory_space<vmem_shared>> -> memref<10240x128xf32, #tpu.memory_space<vmem_shared>>
        tpu.enqueue_indirect_dma source(%arg15 : memref<128x128xf32, #tpu.memory_space<vmem>>) target(%dma_start3A_88 : memref<10240x128xf32, #tpu.memory_space<vmem_shared>>) offsets(%dma_start3A_85 : memref<128xi32, #tpu.memory_space<vmem>>) semaphore(%run_scoped3A : memref<!tpu.dma_semaphore, #tpu.memory_space<semaphore_mem>>) {add = true}
        %dma_wait3A_89 = arith.constant 0 : i32
        %dma_wait3A_90 = tpu.memref_slice %arg8[%add3A_70, %dma_wait3A_89] : memref<80x128xi32, #tpu.memory_space<vmem>> -> memref<1x128xi32, #tpu.memory_space<vmem>>
        %dma_wait3A_91 = tpu.memref_squeeze %dma_wait3A_90 : memref<1x128xi32, #tpu.memory_space<vmem>> -> memref<128xi32, #tpu.memory_space<vmem>>
        %dma_wait3A_92 = arith.constant 0 : i32
        %dma_wait3A_93 = arith.constant 0 : i32
        %dma_wait3A_94 = tpu.memref_slice %arg9[%dma_wait3A_92, %dma_wait3A_93] : memref<10240x128xf32, #tpu.memory_space<vmem_shared>> -> memref<10240x128xf32, #tpu.memory_space<vmem_shared>>
        tpu.wait_indirect_dma semaphore(%run_scoped3A : memref<!tpu.dma_semaphore, #tpu.memory_space<semaphore_mem>>) src(%arg15 : memref<128x128xf32, #tpu.memory_space<vmem>>) dst(%dma_wait3A_94 : memref<10240x128xf32, #tpu.memory_space<vmem_shared>>)
        tpu.yield
      }) : () -> ()
      %lt3A_78 = arith.constant 39 : i32
      %lt3A_79 = arith.cmpi slt, %scan3A_54, %lt3A_78 : i32
      %convert_element_type3A_80 = arith.extui %lt3A_79 : i1 to i32
      %cond3A_81 = arith.constant 0 : i32
      %cond3A_82 = arith.cmpi ne, %convert_element_type3A_80, %cond3A_81 : i32
      scf.if %cond3A_82 {
        %add3A_83 = arith.addi %add3A_30, %add3A_70 : i32
        %add3A_84 = arith.constant 2 : i32
        %add3A_85 = arith.addi %add3A_83, %add3A_84 : i32
        %mul3A_86 = arith.constant 128 : i32
        %mul3A_87 = arith.muli %add3A_85, %mul3A_86 : i32
        %dma_start3A_88 = arith.constant 0 : i32
        %dma_start3A_89 = tpu.memref_slice %arg7[%mul3A_87, %dma_start3A_88] : memref<327680x128xf32, #tpu.memory_space<hbm>> -> memref<128x128xf32, #tpu.memory_space<hbm>>
        %dma_start3A_90 = arith.constant 0 : i32
        %dma_start3A_91 = tpu.memref_slice %arg7[%mul3A_87, %dma_start3A_90] : memref<327680x128xf32, #tpu.memory_space<hbm>> -> memref<128x128xf32, #tpu.memory_space<hbm>>
        tpu.enqueue_dma source(%dma_start3A_91 : memref<128x128xf32, #tpu.memory_space<hbm>>) target(%arg15 : memref<128x128xf32, #tpu.memory_space<vmem>>) target_semaphore(%arg11 : memref<!tpu.dma_semaphore, #tpu.memory_space<semaphore_mem>>)
      } else {
      }
    }
    %scan3A_52 = arith.constant 40 : i32
    %barrier3A_53 = arith.constant 0 : index
    tpu.barrier barrier_id(%barrier3A_53)
    "tpu.region"() ({
      %run_scoped3A = tpu.sem_alloc : memref<!tpu.dma_semaphore, #tpu.memory_space<semaphore_mem>>
      %dma_start3A_54 = arith.constant 0 : i32
      %dma_start3A_55 = tpu.memref_slice %arg6[%arg0, %mul3A_2, %dma_start3A_54] : memref<2x10240x128xf32, #tpu.memory_space<hbm>> -> memref<1x640x128xf32, #tpu.memory_space<hbm>>
      %dma_start3A_56 = tpu.memref_squeeze %dma_start3A_55 : memref<1x640x128xf32, #tpu.memory_space<hbm>> -> memref<640x128xf32, #tpu.memory_space<hbm>>
      %dma_start3A_57 = arith.constant 0 : i32
      %dma_start3A_58 = tpu.memref_slice %arg9[%mul3A_2, %dma_start3A_57] : memref<10240x128xf32, #tpu.memory_space<vmem_shared>> -> memref<640x128xf32, #tpu.memory_space<vmem_shared>>
      tpu.enqueue_dma source(%dma_start3A_58 : memref<640x128xf32, #tpu.memory_space<vmem_shared>>) target(%dma_start3A_56 : memref<640x128xf32, #tpu.memory_space<hbm>>) target_semaphore(%run_scoped3A : memref<!tpu.dma_semaphore, #tpu.memory_space<semaphore_mem>>)
      %dma_wait3A = arith.constant 0 : i32
      %dma_wait3A_59 = tpu.memref_slice %arg6[%arg0, %mul3A_2, %dma_wait3A] : memref<2x10240x128xf32, #tpu.memory_space<hbm>> -> memref<1x640x128xf32, #tpu.memory_space<hbm>>
      %dma_wait3A_60 = tpu.memref_squeeze %dma_wait3A_59 : memref<1x640x128xf32, #tpu.memory_space<hbm>> -> memref<640x128xf32, #tpu.memory_space<hbm>>
      %dma_wait3A_61 = arith.constant 0 : i32
      %dma_wait3A_62 = tpu.memref_slice %arg9[%mul3A_2, %dma_wait3A_61] : memref<10240x128xf32, #tpu.memory_space<vmem_shared>> -> memref<640x128xf32, #tpu.memory_space<vmem_shared>>
      tpu.wait_dma2 semaphore(%run_scoped3A : memref<!tpu.dma_semaphore, #tpu.memory_space<semaphore_mem>>) src(%dma_wait3A_62 : memref<640x128xf32, #tpu.memory_space<vmem_shared>>) dst(%dma_wait3A_60 : memref<640x128xf32, #tpu.memory_space<hbm>>)
      tpu.yield
    }) : () -> ()
    return
  }
}

#map = affine_map<(d0, d1) -> (0, 0)>
#map1 = affine_map<(d0, d1) -> (0, 0, 0)>
module attributes {stable_mosaic.version = 14 : i64} {
  func.func @_seg_sum_body(%arg0: i32, %arg1: i32, %arg2: memref<10240x128xf32, #tpu.memory_space<hbm>>, %arg3: memref<2560x128xi32, #tpu.memory_space<hbm>>, %arg4: memref<2560x128xi32, #tpu.memory_space<hbm>>, %arg5: memref<640x128xf32, #tpu.memory_space<hbm>>, %arg6: memref<2x10240x128xf32, #tpu.memory_space<hbm>>, %arg7: memref<327680x128xf32, #tpu.memory_space<hbm>>, %arg8: memref<80x128xi32, #tpu.memory_space<vmem>>, %arg9: memref<10240x128xf32, #tpu.memory_space<vmem_shared>>, %arg10: memref<!tpu.dma_semaphore, #tpu.memory_space<semaphore_mem>>, %arg11: memref<!tpu.dma_semaphore, #tpu.memory_space<semaphore_mem>>, %arg12: memref<!tpu.dma_semaphore, #tpu.memory_space<semaphore_mem>>, %arg13: memref<!tpu.dma_semaphore, #tpu.memory_space<semaphore_mem>>, %arg14: memref<128x128xf32, #tpu.memory_space<vmem>>, %arg15: memref<128x128xf32, #tpu.memory_space<vmem>>) attributes {dimension_semantics = [#tpu.dimension_semantics<core_parallel>, #tpu.dimension_semantics<subcore_parallel>], iteration_bounds = array<i64: 2, 16>, scalar_prefetch = 0 : i64, scratch_operands = 8 : i64, tpu.core_type = #tpu.core_type<sc_vector_subcore>, window_params = [{transform_indices = #map}, {transform_indices = #map}, {transform_indices = #map}, {transform_indices = #map}, {transform_indices = #map1}, {transform_indices = #map}]} {
    %mul3A = arith.constant 2 : i32
    %mul3A_0 = arith.muli %arg1, %mul3A : i32
    %add3A = arith.addi %mul3A_0, %arg0 : i32
    %mul3A_1 = arith.constant 640 : i32
    %mul3A_2 = arith.muli %arg1, %mul3A_1 : i32
    "tpu.region"() ({
      %run_scoped3A = tpu.sem_alloc : memref<!tpu.dma_semaphore, #tpu.memory_space<semaphore_mem>>
      %dma_start3A_54 = arith.constant 0 : i32
      %dma_start3A_55 = tpu.memref_slice %arg9[%mul3A_2, %dma_start3A_54] : memref<10240x128xf32, #tpu.memory_space<vmem_shared>> -> memref<640x128xf32, #tpu.memory_space<vmem_shared>>
      %dma_start3A_56 = arith.constant 0 : i32
      %dma_start3A_57 = tpu.memref_slice %arg2[%mul3A_2, %dma_start3A_56] : memref<10240x128xf32, #tpu.memory_space<hbm>> -> memref<640x128xf32, #tpu.memory_space<hbm>>
      tpu.enqueue_dma source(%dma_start3A_57 : memref<640x128xf32, #tpu.memory_space<hbm>>) target(%dma_start3A_55 : memref<640x128xf32, #tpu.memory_space<vmem_shared>>) target_semaphore(%run_scoped3A : memref<!tpu.dma_semaphore, #tpu.memory_space<semaphore_mem>>)
      %dma_wait3A = arith.constant 0 : i32
      %dma_wait3A_58 = tpu.memref_slice %arg9[%mul3A_2, %dma_wait3A] : memref<10240x128xf32, #tpu.memory_space<vmem_shared>> -> memref<640x128xf32, #tpu.memory_space<vmem_shared>>
      %dma_wait3A_59 = arith.constant 0 : i32
      %dma_wait3A_60 = tpu.memref_slice %arg2[%mul3A_2, %dma_wait3A_59] : memref<10240x128xf32, #tpu.memory_space<hbm>> -> memref<640x128xf32, #tpu.memory_space<hbm>>
      tpu.wait_dma2 semaphore(%run_scoped3A : memref<!tpu.dma_semaphore, #tpu.memory_space<semaphore_mem>>) src(%dma_wait3A_60 : memref<640x128xf32, #tpu.memory_space<hbm>>) dst(%dma_wait3A_58 : memref<640x128xf32, #tpu.memory_space<vmem_shared>>)
      tpu.yield
    }) : () -> ()
    %barrier3A = arith.constant 0 : index
    tpu.barrier barrier_id(%barrier3A)
    %mul3A_3 = arith.constant 80 : i32
    %mul3A_4 = arith.muli %add3A, %mul3A_3 : i32
    %add3A_5 = arith.constant 0 : i32
    %add3A_6 = arith.addi %mul3A_4, %add3A_5 : i32
    "tpu.region"() ({
      %run_scoped3A = tpu.sem_alloc : memref<!tpu.dma_semaphore, #tpu.memory_space<semaphore_mem>>
      %dma_start3A_54 = arith.constant 0 : i32
      %dma_start3A_55 = tpu.memref_slice %arg3[%add3A_6, %dma_start3A_54] : memref<2560x128xi32, #tpu.memory_space<hbm>> -> memref<80x128xi32, #tpu.memory_space<hbm>>
      %dma_start3A_56 = arith.constant 0 : i32
      %dma_start3A_57 = tpu.memref_slice %arg3[%add3A_6, %dma_start3A_56] : memref<2560x128xi32, #tpu.memory_space<hbm>> -> memref<80x128xi32, #tpu.memory_space<hbm>>
      tpu.enqueue_dma source(%dma_start3A_57 : memref<80x128xi32, #tpu.memory_space<hbm>>) target(%arg8 : memref<80x128xi32, #tpu.memory_space<vmem>>) target_semaphore(%run_scoped3A : memref<!tpu.dma_semaphore, #tpu.memory_space<semaphore_mem>>)
      %dma_wait3A = arith.constant 0 : i32
      %dma_wait3A_58 = tpu.memref_slice %arg3[%add3A_6, %dma_wait3A] : memref<2560x128xi32, #tpu.memory_space<hbm>> -> memref<80x128xi32, #tpu.memory_space<hbm>>
      %dma_wait3A_59 = arith.constant 0 : i32
      %dma_wait3A_60 = tpu.memref_slice %arg3[%add3A_6, %dma_wait3A_59] : memref<2560x128xi32, #tpu.memory_space<hbm>> -> memref<80x128xi32, #tpu.memory_space<hbm>>
      tpu.wait_dma2 semaphore(%run_scoped3A : memref<!tpu.dma_semaphore, #tpu.memory_space<semaphore_mem>>) src(%dma_wait3A_60 : memref<80x128xi32, #tpu.memory_space<hbm>>) dst(%arg8 : memref<80x128xi32, #tpu.memory_space<vmem>>)
      tpu.yield
    }) : () -> ()
    %dma_start3A = arith.constant 0 : i32
    %dma_start3A_7 = arith.constant 0 : i32
    %dma_start3A_8 = tpu.memref_slice %arg8[%dma_start3A, %dma_start3A_7] : memref<80x128xi32, #tpu.memory_space<vmem>> -> memref<1x128xi32, #tpu.memory_space<vmem>>
    %dma_start3A_9 = tpu.memref_squeeze %dma_start3A_8 : memref<1x128xi32, #tpu.memory_space<vmem>> -> memref<128xi32, #tpu.memory_space<vmem>>
    %dma_start3A_10 = arith.constant 0 : i32
    %dma_start3A_11 = arith.constant 0 : i32
    %dma_start3A_12 = tpu.memref_slice %arg9[%dma_start3A_10, %dma_start3A_11] : memref<10240x128xf32, #tpu.memory_space<vmem_shared>> -> memref<10240x128xf32, #tpu.memory_space<vmem_shared>>
    tpu.enqueue_indirect_dma source(%dma_start3A_12 : memref<10240x128xf32, #tpu.memory_space<vmem_shared>>) target(%arg14 : memref<128x128xf32, #tpu.memory_space<vmem>>) offsets(%dma_start3A_9 : memref<128xi32, #tpu.memory_space<vmem>>) semaphore(%arg10 : memref<!tpu.dma_semaphore, #tpu.memory_space<semaphore_mem>>)
    %dma_start3A_13 = arith.constant 1 : i32
    %dma_start3A_14 = arith.constant 0 : i32
    %dma_start3A_15 = tpu.memref_slice %arg8[%dma_start3A_13, %dma_start3A_14] : memref<80x128xi32, #tpu.memory_space<vmem>> -> memref<1x128xi32, #tpu.memory_space<vmem>>
    %dma_start3A_16 = tpu.memref_squeeze %dma_start3A_15 : memref<1x128xi32, #tpu.memory_space<vmem>> -> memref<128xi32, #tpu.memory_space<vmem>>
    %dma_start3A_17 = arith.constant 0 : i32
    %dma_start3A_18 = arith.constant 0 : i32
    %dma_start3A_19 = tpu.memref_slice %arg9[%dma_start3A_17, %dma_start3A_18] : memref<10240x128xf32, #tpu.memory_space<vmem_shared>> -> memref<10240x128xf32, #tpu.memory_space<vmem_shared>>
    tpu.enqueue_indirect_dma source(%dma_start3A_19 : memref<10240x128xf32, #tpu.memory_space<vmem_shared>>) target(%arg15 : memref<128x128xf32, #tpu.memory_space<vmem>>) offsets(%dma_start3A_16 : memref<128xi32, #tpu.memory_space<vmem>>) semaphore(%arg11 : memref<!tpu.dma_semaphore, #tpu.memory_space<semaphore_mem>>)
    %scan3A = arith.constant 0 : i32
    %scan3A_20 = arith.constant 0 : i32
    %scan3A_21 = arith.constant 40 : i32
    %scan3A_22 = arith.addi %scan3A_20, %scan3A_21 : i32
    %scan3A_23 = arith.constant 1 : i32
    scf.for %scan3A_54 = %scan3A_20 to %scan3A_22 step %scan3A_23  : i32 {
      %mul3A_55 = arith.constant 2 : i32
      %mul3A_56 = arith.muli %scan3A_54, %mul3A_55 : i32
      %add3A_57 = arith.constant 0 : i32
      %add3A_58 = arith.addi %mul3A_56, %add3A_57 : i32
      %dma_wait3A = arith.constant 0 : i32
      %dma_wait3A_59 = tpu.memref_slice %arg8[%add3A_58, %dma_wait3A] : memref<80x128xi32, #tpu.memory_space<vmem>> -> memref<1x128xi32, #tpu.memory_space<vmem>>
      %dma_wait3A_60 = tpu.memref_squeeze %dma_wait3A_59 : memref<1x128xi32, #tpu.memory_space<vmem>> -> memref<128xi32, #tpu.memory_space<vmem>>
      %dma_wait3A_61 = arith.constant 0 : i32
      %dma_wait3A_62 = arith.constant 0 : i32
      %dma_wait3A_63 = tpu.memref_slice %arg9[%dma_wait3A_61, %dma_wait3A_62] : memref<10240x128xf32, #tpu.memory_space<vmem_shared>> -> memref<10240x128xf32, #tpu.memory_space<vmem_shared>>
      tpu.wait_indirect_dma semaphore(%arg10 : memref<!tpu.dma_semaphore, #tpu.memory_space<semaphore_mem>>) src(%dma_wait3A_63 : memref<10240x128xf32, #tpu.memory_space<vmem_shared>>) dst(%arg14 : memref<128x128xf32, #tpu.memory_space<vmem>>)
      %add3A_64 = arith.addi %add3A_6, %add3A_58 : i32
      %mul3A_65 = arith.constant 128 : i32
      %mul3A_66 = arith.muli %add3A_64, %mul3A_65 : i32
      %dma_start3A_67 = arith.constant 0 : i32
      %dma_start3A_68 = tpu.memref_slice %arg7[%mul3A_66, %dma_start3A_67] : memref<327680x128xf32, #tpu.memory_space<hbm>> -> memref<128x128xf32, #tpu.memory_space<hbm>>
      %dma_start3A_69 = arith.constant 0 : i32
      %dma_start3A_70 = tpu.memref_slice %arg7[%mul3A_66, %dma_start3A_69] : memref<327680x128xf32, #tpu.memory_space<hbm>> -> memref<128x128xf32, #tpu.memory_space<hbm>>
      tpu.enqueue_dma source(%arg14 : memref<128x128xf32, #tpu.memory_space<vmem>>) target(%dma_start3A_70 : memref<128x128xf32, #tpu.memory_space<hbm>>) target_semaphore(%arg12 : memref<!tpu.dma_semaphore, #tpu.memory_space<semaphore_mem>>)
      %lt3A = arith.constant 39 : i32
      %lt3A_71 = arith.cmpi slt, %scan3A_54, %lt3A : i32
      %convert_element_type3A = arith.extui %lt3A_71 : i1 to i32
      %cond3A = arith.constant 0 : i32
      %cond3A_72 = arith.cmpi ne, %convert_element_type3A, %cond3A : i32
      scf.if %cond3A_72 {
        %dma_wait3A_104 = arith.constant 0 : i32
        %dma_wait3A_105 = tpu.memref_slice %arg7[%mul3A_66, %dma_wait3A_104] : memref<327680x128xf32, #tpu.memory_space<hbm>> -> memref<128x128xf32, #tpu.memory_space<hbm>>
        %dma_wait3A_106 = arith.constant 0 : i32
        %dma_wait3A_107 = tpu.memref_slice %arg7[%mul3A_66, %dma_wait3A_106] : memref<327680x128xf32, #tpu.memory_space<hbm>> -> memref<128x128xf32, #tpu.memory_space<hbm>>
        tpu.wait_dma2 semaphore(%arg12 : memref<!tpu.dma_semaphore, #tpu.memory_space<semaphore_mem>>) src(%arg14 : memref<128x128xf32, #tpu.memory_space<vmem>>) dst(%dma_wait3A_107 : memref<128x128xf32, #tpu.memory_space<hbm>>)
        %add3A_108 = arith.constant 2 : i32
        %add3A_109 = arith.addi %add3A_58, %add3A_108 : i32
        %dma_start3A_110 = arith.constant 0 : i32
        %dma_start3A_111 = tpu.memref_slice %arg8[%add3A_109, %dma_start3A_110] : memref<80x128xi32, #tpu.memory_space<vmem>> -> memref<1x128xi32, #tpu.memory_space<vmem>>
        %dma_start3A_112 = tpu.memref_squeeze %dma_start3A_111 : memref<1x128xi32, #tpu.memory_space<vmem>> -> memref<128xi32, #tpu.memory_space<vmem>>
        %dma_start3A_113 = arith.constant 0 : i32
        %dma_start3A_114 = arith.constant 0 : i32
        %dma_start3A_115 = tpu.memref_slice %arg9[%dma_start3A_113, %dma_start3A_114] : memref<10240x128xf32, #tpu.memory_space<vmem_shared>> -> memref<10240x128xf32, #tpu.memory_space<vmem_shared>>
        tpu.enqueue_indirect_dma source(%dma_start3A_115 : memref<10240x128xf32, #tpu.memory_space<vmem_shared>>) target(%arg14 : memref<128x128xf32, #tpu.memory_space<vmem>>) offsets(%dma_start3A_112 : memref<128xi32, #tpu.memory_space<vmem>>) semaphore(%arg10 : memref<!tpu.dma_semaphore, #tpu.memory_space<semaphore_mem>>)
      } else {
      }
      %eq3A = arith.constant 39 : i32
      %eq3A_73 = arith.cmpi eq, %scan3A_54, %eq3A : i32
      %convert_element_type3A_74 = arith.extui %eq3A_73 : i1 to i32
      %cond3A_75 = arith.constant 0 : i32
      %cond3A_76 = arith.cmpi ne, %convert_element_type3A_74, %cond3A_75 : i32
      scf.if %cond3A_76 {
        %dma_wait3A_104 = arith.constant 0 : i32
        %dma_wait3A_105 = tpu.memref_slice %arg7[%mul3A_66, %dma_wait3A_104] : memref<327680x128xf32, #tpu.memory_space<hbm>> -> memref<128x128xf32, #tpu.memory_space<hbm>>
        %dma_wait3A_106 = arith.constant 0 : i32
        %dma_wait3A_107 = tpu.memref_slice %arg7[%mul3A_66, %dma_wait3A_106] : memref<327680x128xf32, #tpu.memory_space<hbm>> -> memref<128x128xf32, #tpu.memory_space<hbm>>
        tpu.wait_dma2 semaphore(%arg12 : memref<!tpu.dma_semaphore, #tpu.memory_space<semaphore_mem>>) src(%arg14 : memref<128x128xf32, #tpu.memory_space<vmem>>) dst(%dma_wait3A_107 : memref<128x128xf32, #tpu.memory_space<hbm>>)
      } else {
      }
      %mul3A_77 = arith.constant 2 : i32
      %mul3A_78 = arith.muli %scan3A_54, %mul3A_77 : i32
      %add3A_79 = arith.constant 1 : i32
      %add3A_80 = arith.addi %mul3A_78, %add3A_79 : i32
      %dma_wait3A_81 = arith.constant 0 : i32
      %dma_wait3A_82 = tpu.memref_slice %arg8[%add3A_80, %dma_wait3A_81] : memref<80x128xi32, #tpu.memory_space<vmem>> -> memref<1x128xi32, #tpu.memory_space<vmem>>
      %dma_wait3A_83 = tpu.memref_squeeze %dma_wait3A_82 : memref<1x128xi32, #tpu.memory_space<vmem>> -> memref<128xi32, #tpu.memory_space<vmem>>
      %dma_wait3A_84 = arith.constant 0 : i32
      %dma_wait3A_85 = arith.constant 0 : i32
      %dma_wait3A_86 = tpu.memref_slice %arg9[%dma_wait3A_84, %dma_wait3A_85] : memref<10240x128xf32, #tpu.memory_space<vmem_shared>> -> memref<10240x128xf32, #tpu.memory_space<vmem_shared>>
      tpu.wait_indirect_dma semaphore(%arg11 : memref<!tpu.dma_semaphore, #tpu.memory_space<semaphore_mem>>) src(%dma_wait3A_86 : memref<10240x128xf32, #tpu.memory_space<vmem_shared>>) dst(%arg15 : memref<128x128xf32, #tpu.memory_space<vmem>>)
      %add3A_87 = arith.addi %add3A_6, %add3A_80 : i32
      %mul3A_88 = arith.constant 128 : i32
      %mul3A_89 = arith.muli %add3A_87, %mul3A_88 : i32
      %dma_start3A_90 = arith.constant 0 : i32
      %dma_start3A_91 = tpu.memref_slice %arg7[%mul3A_89, %dma_start3A_90] : memref<327680x128xf32, #tpu.memory_space<hbm>> -> memref<128x128xf32, #tpu.memory_space<hbm>>
      %dma_start3A_92 = arith.constant 0 : i32
      %dma_start3A_93 = tpu.memref_slice %arg7[%mul3A_89, %dma_start3A_92] : memref<327680x128xf32, #tpu.memory_space<hbm>> -> memref<128x128xf32, #tpu.memory_space<hbm>>
      tpu.enqueue_dma source(%arg15 : memref<128x128xf32, #tpu.memory_space<vmem>>) target(%dma_start3A_93 : memref<128x128xf32, #tpu.memory_space<hbm>>) target_semaphore(%arg13 : memref<!tpu.dma_semaphore, #tpu.memory_space<semaphore_mem>>)
      %lt3A_94 = arith.constant 39 : i32
      %lt3A_95 = arith.cmpi slt, %scan3A_54, %lt3A_94 : i32
      %convert_element_type3A_96 = arith.extui %lt3A_95 : i1 to i32
      %cond3A_97 = arith.constant 0 : i32
      %cond3A_98 = arith.cmpi ne, %convert_element_type3A_96, %cond3A_97 : i32
      scf.if %cond3A_98 {
        %dma_wait3A_104 = arith.constant 0 : i32
        %dma_wait3A_105 = tpu.memref_slice %arg7[%mul3A_89, %dma_wait3A_104] : memref<327680x128xf32, #tpu.memory_space<hbm>> -> memref<128x128xf32, #tpu.memory_space<hbm>>
        %dma_wait3A_106 = arith.constant 0 : i32
        %dma_wait3A_107 = tpu.memref_slice %arg7[%mul3A_89, %dma_wait3A_106] : memref<327680x128xf32, #tpu.memory_space<hbm>> -> memref<128x128xf32, #tpu.memory_space<hbm>>
        tpu.wait_dma2 semaphore(%arg13 : memref<!tpu.dma_semaphore, #tpu.memory_space<semaphore_mem>>) src(%arg15 : memref<128x128xf32, #tpu.memory_space<vmem>>) dst(%dma_wait3A_107 : memref<128x128xf32, #tpu.memory_space<hbm>>)
        %add3A_108 = arith.constant 2 : i32
        %add3A_109 = arith.addi %add3A_80, %add3A_108 : i32
        %dma_start3A_110 = arith.constant 0 : i32
        %dma_start3A_111 = tpu.memref_slice %arg8[%add3A_109, %dma_start3A_110] : memref<80x128xi32, #tpu.memory_space<vmem>> -> memref<1x128xi32, #tpu.memory_space<vmem>>
        %dma_start3A_112 = tpu.memref_squeeze %dma_start3A_111 : memref<1x128xi32, #tpu.memory_space<vmem>> -> memref<128xi32, #tpu.memory_space<vmem>>
        %dma_start3A_113 = arith.constant 0 : i32
        %dma_start3A_114 = arith.constant 0 : i32
        %dma_start3A_115 = tpu.memref_slice %arg9[%dma_start3A_113, %dma_start3A_114] : memref<10240x128xf32, #tpu.memory_space<vmem_shared>> -> memref<10240x128xf32, #tpu.memory_space<vmem_shared>>
        tpu.enqueue_indirect_dma source(%dma_start3A_115 : memref<10240x128xf32, #tpu.memory_space<vmem_shared>>) target(%arg15 : memref<128x128xf32, #tpu.memory_space<vmem>>) offsets(%dma_start3A_112 : memref<128xi32, #tpu.memory_space<vmem>>) semaphore(%arg11 : memref<!tpu.dma_semaphore, #tpu.memory_space<semaphore_mem>>)
      } else {
      }
      %eq3A_99 = arith.constant 39 : i32
      %eq3A_100 = arith.cmpi eq, %scan3A_54, %eq3A_99 : i32
      %convert_element_type3A_101 = arith.extui %eq3A_100 : i1 to i32
      %cond3A_102 = arith.constant 0 : i32
      %cond3A_103 = arith.cmpi ne, %convert_element_type3A_101, %cond3A_102 : i32
      scf.if %cond3A_103 {
        %dma_wait3A_104 = arith.constant 0 : i32
        %dma_wait3A_105 = tpu.memref_slice %arg7[%mul3A_89, %dma_wait3A_104] : memref<327680x128xf32, #tpu.memory_space<hbm>> -> memref<128x128xf32, #tpu.memory_space<hbm>>
        %dma_wait3A_106 = arith.constant 0 : i32
        %dma_wait3A_107 = tpu.memref_slice %arg7[%mul3A_89, %dma_wait3A_106] : memref<327680x128xf32, #tpu.memory_space<hbm>> -> memref<128x128xf32, #tpu.memory_space<hbm>>
        tpu.wait_dma2 semaphore(%arg13 : memref<!tpu.dma_semaphore, #tpu.memory_space<semaphore_mem>>) src(%arg15 : memref<128x128xf32, #tpu.memory_space<vmem>>) dst(%dma_wait3A_107 : memref<128x128xf32, #tpu.memory_space<hbm>>)
      } else {
      }
    }
    %scan3A_24 = arith.constant 40 : i32
    %barrier3A_25 = arith.constant 0 : index
    tpu.barrier barrier_id(%barrier3A_25)
    "tpu.region"() ({
      %run_scoped3A = tpu.sem_alloc : memref<!tpu.dma_semaphore, #tpu.memory_space<semaphore_mem>>
      %dma_start3A_54 = arith.constant 0 : i32
      %dma_start3A_55 = tpu.memref_slice %arg9[%mul3A_2, %dma_start3A_54] : memref<10240x128xf32, #tpu.memory_space<vmem_shared>> -> memref<640x128xf32, #tpu.memory_space<vmem_shared>>
      tpu.enqueue_dma source(%arg5 : memref<640x128xf32, #tpu.memory_space<hbm>>) target(%dma_start3A_55 : memref<640x128xf32, #tpu.memory_space<vmem_shared>>) target_semaphore(%run_scoped3A : memref<!tpu.dma_semaphore, #tpu.memory_space<semaphore_mem>>)
      %dma_wait3A = arith.constant 0 : i32
      %dma_wait3A_56 = tpu.memref_slice %arg9[%mul3A_2, %dma_wait3A] : memref<10240x128xf32, #tpu.memory_space<vmem_shared>> -> memref<640x128xf32, #tpu.memory_space<vmem_shared>>
      tpu.wait_dma2 semaphore(%run_scoped3A : memref<!tpu.dma_semaphore, #tpu.memory_space<semaphore_mem>>) src(%arg5 : memref<640x128xf32, #tpu.memory_space<hbm>>) dst(%dma_wait3A_56 : memref<640x128xf32, #tpu.memory_space<vmem_shared>>)
      tpu.yield
    }) : () -> ()
    %barrier3A_26 = arith.constant 0 : index
    tpu.barrier barrier_id(%barrier3A_26)
    %mul3A_27 = arith.constant 80 : i32
    %mul3A_28 = arith.muli %add3A, %mul3A_27 : i32
    %add3A_29 = arith.constant 0 : i32
    %add3A_30 = arith.addi %mul3A_28, %add3A_29 : i32
    "tpu.region"() ({
      %run_scoped3A = tpu.sem_alloc : memref<!tpu.dma_semaphore, #tpu.memory_space<semaphore_mem>>
      %dma_start3A_54 = arith.constant 0 : i32
      %dma_start3A_55 = tpu.memref_slice %arg4[%add3A_30, %dma_start3A_54] : memref<2560x128xi32, #tpu.memory_space<hbm>> -> memref<80x128xi32, #tpu.memory_space<hbm>>
      %dma_start3A_56 = arith.constant 0 : i32
      %dma_start3A_57 = tpu.memref_slice %arg4[%add3A_30, %dma_start3A_56] : memref<2560x128xi32, #tpu.memory_space<hbm>> -> memref<80x128xi32, #tpu.memory_space<hbm>>
      tpu.enqueue_dma source(%dma_start3A_57 : memref<80x128xi32, #tpu.memory_space<hbm>>) target(%arg8 : memref<80x128xi32, #tpu.memory_space<vmem>>) target_semaphore(%run_scoped3A : memref<!tpu.dma_semaphore, #tpu.memory_space<semaphore_mem>>)
      %dma_wait3A = arith.constant 0 : i32
      %dma_wait3A_58 = tpu.memref_slice %arg4[%add3A_30, %dma_wait3A] : memref<2560x128xi32, #tpu.memory_space<hbm>> -> memref<80x128xi32, #tpu.memory_space<hbm>>
      %dma_wait3A_59 = arith.constant 0 : i32
      %dma_wait3A_60 = tpu.memref_slice %arg4[%add3A_30, %dma_wait3A_59] : memref<2560x128xi32, #tpu.memory_space<hbm>> -> memref<80x128xi32, #tpu.memory_space<hbm>>
      tpu.wait_dma2 semaphore(%run_scoped3A : memref<!tpu.dma_semaphore, #tpu.memory_space<semaphore_mem>>) src(%dma_wait3A_60 : memref<80x128xi32, #tpu.memory_space<hbm>>) dst(%arg8 : memref<80x128xi32, #tpu.memory_space<vmem>>)
      tpu.yield
    }) : () -> ()
    %add3A_31 = arith.constant 0 : i32
    %add3A_32 = arith.addi %add3A_30, %add3A_31 : i32
    %mul3A_33 = arith.constant 128 : i32
    %mul3A_34 = arith.muli %add3A_32, %mul3A_33 : i32
    %dma_start3A_35 = arith.constant 0 : i32
    %dma_start3A_36 = tpu.memref_slice %arg7[%mul3A_34, %dma_start3A_35] : memref<327680x128xf32, #tpu.memory_space<hbm>> -> memref<128x128xf32, #tpu.memory_space<hbm>>
    %dma_start3A_37 = arith.constant 0 : i32
    %dma_start3A_38 = tpu.memref_slice %arg7[%mul3A_34, %dma_start3A_37] : memref<327680x128xf32, #tpu.memory_space<hbm>> -> memref<128x128xf32, #tpu.memory_space<hbm>>
    tpu.enqueue_dma source(%dma_start3A_38 : memref<128x128xf32, #tpu.memory_space<hbm>>) target(%arg14 : memref<128x128xf32, #tpu.memory_space<vmem>>) target_semaphore(%arg10 : memref<!tpu.dma_semaphore, #tpu.memory_space<semaphore_mem>>)
    %add3A_39 = arith.constant 1 : i32
    %add3A_40 = arith.addi %add3A_30, %add3A_39 : i32
    %mul3A_41 = arith.constant 128 : i32
    %mul3A_42 = arith.muli %add3A_40, %mul3A_41 : i32
    %dma_start3A_43 = arith.constant 0 : i32
    %dma_start3A_44 = tpu.memref_slice %arg7[%mul3A_42, %dma_start3A_43] : memref<327680x128xf32, #tpu.memory_space<hbm>> -> memref<128x128xf32, #tpu.memory_space<hbm>>
    %dma_start3A_45 = arith.constant 0 : i32
    %dma_start3A_46 = tpu.memref_slice %arg7[%mul3A_42, %dma_start3A_45] : memref<327680x128xf32, #tpu.memory_space<hbm>> -> memref<128x128xf32, #tpu.memory_space<hbm>>
    tpu.enqueue_dma source(%dma_start3A_46 : memref<128x128xf32, #tpu.memory_space<hbm>>) target(%arg15 : memref<128x128xf32, #tpu.memory_space<vmem>>) target_semaphore(%arg11 : memref<!tpu.dma_semaphore, #tpu.memory_space<semaphore_mem>>)
    %scan3A_47 = arith.constant 0 : i32
    %scan3A_48 = arith.constant 0 : i32
    %scan3A_49 = arith.constant 40 : i32
    %scan3A_50 = arith.addi %scan3A_48, %scan3A_49 : i32
    %scan3A_51 = arith.constant 1 : i32
    scf.for %scan3A_54 = %scan3A_48 to %scan3A_50 step %scan3A_51  : i32 {
      %mul3A_55 = arith.constant 2 : i32
      %mul3A_56 = arith.muli %scan3A_54, %mul3A_55 : i32
      %add3A_57 = arith.constant 0 : i32
      %add3A_58 = arith.addi %mul3A_56, %add3A_57 : i32
      %add3A_59 = arith.addi %add3A_30, %add3A_58 : i32
      %mul3A_60 = arith.constant 128 : i32
      %mul3A_61 = arith.muli %add3A_59, %mul3A_60 : i32
      %dma_wait3A = arith.constant 0 : i32
      %dma_wait3A_62 = tpu.memref_slice %arg7[%mul3A_61, %dma_wait3A] : memref<327680x128xf32, #tpu.memory_space<hbm>> -> memref<128x128xf32, #tpu.memory_space<hbm>>
      %dma_wait3A_63 = arith.constant 0 : i32
      %dma_wait3A_64 = tpu.memref_slice %arg7[%mul3A_61, %dma_wait3A_63] : memref<327680x128xf32, #tpu.memory_space<hbm>> -> memref<128x128xf32, #tpu.memory_space<hbm>>
      tpu.wait_dma2 semaphore(%arg10 : memref<!tpu.dma_semaphore, #tpu.memory_space<semaphore_mem>>) src(%dma_wait3A_64 : memref<128x128xf32, #tpu.memory_space<hbm>>) dst(%arg14 : memref<128x128xf32, #tpu.memory_space<vmem>>)
      "tpu.region"() ({
        %run_scoped3A = tpu.sem_alloc : memref<!tpu.dma_semaphore, #tpu.memory_space<semaphore_mem>>
        %dma_start3A_83 = arith.constant 0 : i32
        %dma_start3A_84 = tpu.memref_slice %arg8[%add3A_58, %dma_start3A_83] : memref<80x128xi32, #tpu.memory_space<vmem>> -> memref<1x128xi32, #tpu.memory_space<vmem>>
        %dma_start3A_85 = tpu.memref_squeeze %dma_start3A_84 : memref<1x128xi32, #tpu.memory_space<vmem>> -> memref<128xi32, #tpu.memory_space<vmem>>
        %dma_start3A_86 = arith.constant 0 : i32
        %dma_start3A_87 = arith.constant 0 : i32
        %dma_start3A_88 = tpu.memref_slice %arg9[%dma_start3A_86, %dma_start3A_87] : memref<10240x128xf32, #tpu.memory_space<vmem_shared>> -> memref<10240x128xf32, #tpu.memory_space<vmem_shared>>
        tpu.enqueue_indirect_dma source(%arg14 : memref<128x128xf32, #tpu.memory_space<vmem>>) target(%dma_start3A_88 : memref<10240x128xf32, #tpu.memory_space<vmem_shared>>) offsets(%dma_start3A_85 : memref<128xi32, #tpu.memory_space<vmem>>) semaphore(%run_scoped3A : memref<!tpu.dma_semaphore, #tpu.memory_space<semaphore_mem>>) {add = true}
        %dma_wait3A_89 = arith.constant 0 : i32
        %dma_wait3A_90 = tpu.memref_slice %arg8[%add3A_58, %dma_wait3A_89] : memref<80x128xi32, #tpu.memory_space<vmem>> -> memref<1x128xi32, #tpu.memory_space<vmem>>
        %dma_wait3A_91 = tpu.memref_squeeze %dma_wait3A_90 : memref<1x128xi32, #tpu.memory_space<vmem>> -> memref<128xi32, #tpu.memory_space<vmem>>
        %dma_wait3A_92 = arith.constant 0 : i32
        %dma_wait3A_93 = arith.constant 0 : i32
        %dma_wait3A_94 = tpu.memref_slice %arg9[%dma_wait3A_92, %dma_wait3A_93] : memref<10240x128xf32, #tpu.memory_space<vmem_shared>> -> memref<10240x128xf32, #tpu.memory_space<vmem_shared>>
        tpu.wait_indirect_dma semaphore(%run_scoped3A : memref<!tpu.dma_semaphore, #tpu.memory_space<semaphore_mem>>) src(%arg14 : memref<128x128xf32, #tpu.memory_space<vmem>>) dst(%dma_wait3A_94 : memref<10240x128xf32, #tpu.memory_space<vmem_shared>>)
        tpu.yield
      }) : () -> ()
      %lt3A = arith.constant 39 : i32
      %lt3A_65 = arith.cmpi slt, %scan3A_54, %lt3A : i32
      %convert_element_type3A = arith.extui %lt3A_65 : i1 to i32
      %cond3A = arith.constant 0 : i32
      %cond3A_66 = arith.cmpi ne, %convert_element_type3A, %cond3A : i32
      scf.if %cond3A_66 {
        %add3A_83 = arith.addi %add3A_30, %add3A_58 : i32
        %add3A_84 = arith.constant 2 : i32
        %add3A_85 = arith.addi %add3A_83, %add3A_84 : i32
        %mul3A_86 = arith.constant 128 : i32
        %mul3A_87 = arith.muli %add3A_85, %mul3A_86 : i32
        %dma_start3A_88 = arith.constant 0 : i32
        %dma_start3A_89 = tpu.memref_slice %arg7[%mul3A_87, %dma_start3A_88] : memref<327680x128xf32, #tpu.memory_space<hbm>> -> memref<128x128xf32, #tpu.memory_space<hbm>>
        %dma_start3A_90 = arith.constant 0 : i32
        %dma_start3A_91 = tpu.memref_slice %arg7[%mul3A_87, %dma_start3A_90] : memref<327680x128xf32, #tpu.memory_space<hbm>> -> memref<128x128xf32, #tpu.memory_space<hbm>>
        tpu.enqueue_dma source(%dma_start3A_91 : memref<128x128xf32, #tpu.memory_space<hbm>>) target(%arg14 : memref<128x128xf32, #tpu.memory_space<vmem>>) target_semaphore(%arg10 : memref<!tpu.dma_semaphore, #tpu.memory_space<semaphore_mem>>)
      } else {
      }
      %mul3A_67 = arith.constant 2 : i32
      %mul3A_68 = arith.muli %scan3A_54, %mul3A_67 : i32
      %add3A_69 = arith.constant 1 : i32
      %add3A_70 = arith.addi %mul3A_68, %add3A_69 : i32
      %add3A_71 = arith.addi %add3A_30, %add3A_70 : i32
      %mul3A_72 = arith.constant 128 : i32
      %mul3A_73 = arith.muli %add3A_71, %mul3A_72 : i32
      %dma_wait3A_74 = arith.constant 0 : i32
      %dma_wait3A_75 = tpu.memref_slice %arg7[%mul3A_73, %dma_wait3A_74] : memref<327680x128xf32, #tpu.memory_space<hbm>> -> memref<128x128xf32, #tpu.memory_space<hbm>>
      %dma_wait3A_76 = arith.constant 0 : i32
      %dma_wait3A_77 = tpu.memref_slice %arg7[%mul3A_73, %dma_wait3A_76] : memref<327680x128xf32, #tpu.memory_space<hbm>> -> memref<128x128xf32, #tpu.memory_space<hbm>>
      tpu.wait_dma2 semaphore(%arg11 : memref<!tpu.dma_semaphore, #tpu.memory_space<semaphore_mem>>) src(%dma_wait3A_77 : memref<128x128xf32, #tpu.memory_space<hbm>>) dst(%arg15 : memref<128x128xf32, #tpu.memory_space<vmem>>)
      "tpu.region"() ({
        %run_scoped3A = tpu.sem_alloc : memref<!tpu.dma_semaphore, #tpu.memory_space<semaphore_mem>>
        %dma_start3A_83 = arith.constant 0 : i32
        %dma_start3A_84 = tpu.memref_slice %arg8[%add3A_70, %dma_start3A_83] : memref<80x128xi32, #tpu.memory_space<vmem>> -> memref<1x128xi32, #tpu.memory_space<vmem>>
        %dma_start3A_85 = tpu.memref_squeeze %dma_start3A_84 : memref<1x128xi32, #tpu.memory_space<vmem>> -> memref<128xi32, #tpu.memory_space<vmem>>
        %dma_start3A_86 = arith.constant 0 : i32
        %dma_start3A_87 = arith.constant 0 : i32
        %dma_start3A_88 = tpu.memref_slice %arg9[%dma_start3A_86, %dma_start3A_87] : memref<10240x128xf32, #tpu.memory_space<vmem_shared>> -> memref<10240x128xf32, #tpu.memory_space<vmem_shared>>
        tpu.enqueue_indirect_dma source(%arg15 : memref<128x128xf32, #tpu.memory_space<vmem>>) target(%dma_start3A_88 : memref<10240x128xf32, #tpu.memory_space<vmem_shared>>) offsets(%dma_start3A_85 : memref<128xi32, #tpu.memory_space<vmem>>) semaphore(%run_scoped3A : memref<!tpu.dma_semaphore, #tpu.memory_space<semaphore_mem>>) {add = true}
        %dma_wait3A_89 = arith.constant 0 : i32
        %dma_wait3A_90 = tpu.memref_slice %arg8[%add3A_70, %dma_wait3A_89] : memref<80x128xi32, #tpu.memory_space<vmem>> -> memref<1x128xi32, #tpu.memory_space<vmem>>
        %dma_wait3A_91 = tpu.memref_squeeze %dma_wait3A_90 : memref<1x128xi32, #tpu.memory_space<vmem>> -> memref<128xi32, #tpu.memory_space<vmem>>
        %dma_wait3A_92 = arith.constant 0 : i32
        %dma_wait3A_93 = arith.constant 0 : i32
        %dma_wait3A_94 = tpu.memref_slice %arg9[%dma_wait3A_92, %dma_wait3A_93] : memref<10240x128xf32, #tpu.memory_space<vmem_shared>> -> memref<10240x128xf32, #tpu.memory_space<vmem_shared>>
        tpu.wait_indirect_dma semaphore(%run_scoped3A : memref<!tpu.dma_semaphore, #tpu.memory_space<semaphore_mem>>) src(%arg15 : memref<128x128xf32, #tpu.memory_space<vmem>>) dst(%dma_wait3A_94 : memref<10240x128xf32, #tpu.memory_space<vmem_shared>>)
        tpu.yield
      }) : () -> ()
      %lt3A_78 = arith.constant 39 : i32
      %lt3A_79 = arith.cmpi slt, %scan3A_54, %lt3A_78 : i32
      %convert_element_type3A_80 = arith.extui %lt3A_79 : i1 to i32
      %cond3A_81 = arith.constant 0 : i32
      %cond3A_82 = arith.cmpi ne, %convert_element_type3A_80, %cond3A_81 : i32
      scf.if %cond3A_82 {
        %add3A_83 = arith.addi %add3A_30, %add3A_70 : i32
        %add3A_84 = arith.constant 2 : i32
        %add3A_85 = arith.addi %add3A_83, %add3A_84 : i32
        %mul3A_86 = arith.constant 128 : i32
        %mul3A_87 = arith.muli %add3A_85, %mul3A_86 : i32
        %dma_start3A_88 = arith.constant 0 : i32
        %dma_start3A_89 = tpu.memref_slice %arg7[%mul3A_87, %dma_start3A_88] : memref<327680x128xf32, #tpu.memory_space<hbm>> -> memref<128x128xf32, #tpu.memory_space<hbm>>
        %dma_start3A_90 = arith.constant 0 : i32
        %dma_start3A_91 = tpu.memref_slice %arg7[%mul3A_87, %dma_start3A_90] : memref<327680x128xf32, #tpu.memory_space<hbm>> -> memref<128x128xf32, #tpu.memory_space<hbm>>
        tpu.enqueue_dma source(%dma_start3A_91 : memref<128x128xf32, #tpu.memory_space<hbm>>) target(%arg15 : memref<128x128xf32, #tpu.memory_space<vmem>>) target_semaphore(%arg11 : memref<!tpu.dma_semaphore, #tpu.memory_space<semaphore_mem>>)
      } else {
      }
    }
    %scan3A_52 = arith.constant 40 : i32
    %barrier3A_53 = arith.constant 0 : index
    tpu.barrier barrier_id(%barrier3A_53)
    "tpu.region"() ({
      %run_scoped3A = tpu.sem_alloc : memref<!tpu.dma_semaphore, #tpu.memory_space<semaphore_mem>>
      %dma_start3A_54 = arith.constant 0 : i32
      %dma_start3A_55 = tpu.memref_slice %arg6[%arg0, %mul3A_2, %dma_start3A_54] : memref<2x10240x128xf32, #tpu.memory_space<hbm>> -> memref<1x640x128xf32, #tpu.memory_space<hbm>>
      %dma_start3A_56 = tpu.memref_squeeze %dma_start3A_55 : memref<1x640x128xf32, #tpu.memory_space<hbm>> -> memref<640x128xf32, #tpu.memory_space<hbm>>
      %dma_start3A_57 = arith.constant 0 : i32
      %dma_start3A_58 = tpu.memref_slice %arg9[%mul3A_2, %dma_start3A_57] : memref<10240x128xf32, #tpu.memory_space<vmem_shared>> -> memref<640x128xf32, #tpu.memory_space<vmem_shared>>
      tpu.enqueue_dma source(%dma_start3A_58 : memref<640x128xf32, #tpu.memory_space<vmem_shared>>) target(%dma_start3A_56 : memref<640x128xf32, #tpu.memory_space<hbm>>) target_semaphore(%run_scoped3A : memref<!tpu.dma_semaphore, #tpu.memory_space<semaphore_mem>>)
      %dma_wait3A = arith.constant 0 : i32
      %dma_wait3A_59 = tpu.memref_slice %arg6[%arg0, %mul3A_2, %dma_wait3A] : memref<2x10240x128xf32, #tpu.memory_space<hbm>> -> memref<1x640x128xf32, #tpu.memory_space<hbm>>
      %dma_wait3A_60 = tpu.memref_squeeze %dma_wait3A_59 : memref<1x640x128xf32, #tpu.memory_space<hbm>> -> memref<640x128xf32, #tpu.memory_space<hbm>>
      %dma_wait3A_61 = arith.constant 0 : i32
      %dma_wait3A_62 = tpu.memref_slice %arg9[%mul3A_2, %dma_wait3A_61] : memref<10240x128xf32, #tpu.memory_space<vmem_shared>> -> memref<640x128xf32, #tpu.memory_space<vmem_shared>>
      tpu.wait_dma2 semaphore(%run_scoped3A : memref<!tpu.dma_semaphore, #tpu.memory_space<semaphore_mem>>) src(%dma_wait3A_62 : memref<640x128xf32, #tpu.memory_space<vmem_shared>>) dst(%dma_wait3A_60 : memref<640x128xf32, #tpu.memory_space<hbm>>)
      tpu.yield
    }) : () -> ()
    return
  }
}

#map = affine_map<(d0, d1) -> (0, 0)>
#map1 = affine_map<(d0, d1) -> (0, 0, 0)>
module attributes {stable_mosaic.version = 14 : i64} {
  func.func @_seg_sum_body(%arg0: i32, %arg1: i32, %arg2: memref<10240x128xf32, #tpu.memory_space<hbm>>, %arg3: memref<2560x128xi32, #tpu.memory_space<hbm>>, %arg4: memref<2560x128xi32, #tpu.memory_space<hbm>>, %arg5: memref<640x128xf32, #tpu.memory_space<hbm>>, %arg6: memref<2x10240x128xf32, #tpu.memory_space<hbm>>, %arg7: memref<327680x128xf32, #tpu.memory_space<hbm>>, %arg8: memref<80x128xi32, #tpu.memory_space<vmem>>, %arg9: memref<10240x128xf32, #tpu.memory_space<vmem_shared>>, %arg10: memref<!tpu.dma_semaphore, #tpu.memory_space<semaphore_mem>>, %arg11: memref<!tpu.dma_semaphore, #tpu.memory_space<semaphore_mem>>, %arg12: memref<!tpu.dma_semaphore, #tpu.memory_space<semaphore_mem>>, %arg13: memref<!tpu.dma_semaphore, #tpu.memory_space<semaphore_mem>>, %arg14: memref<128x128xf32, #tpu.memory_space<vmem>>, %arg15: memref<128x128xf32, #tpu.memory_space<vmem>>) attributes {dimension_semantics = [#tpu.dimension_semantics<core_parallel>, #tpu.dimension_semantics<subcore_parallel>], iteration_bounds = array<i64: 2, 16>, scalar_prefetch = 0 : i64, scratch_operands = 8 : i64, tpu.core_type = #tpu.core_type<sc_vector_subcore>, window_params = [{transform_indices = #map}, {transform_indices = #map}, {transform_indices = #map}, {transform_indices = #map}, {transform_indices = #map1}, {transform_indices = #map}]} {
    %mul3A = arith.constant 2 : i32
    %mul3A_0 = arith.muli %arg1, %mul3A : i32
    %add3A = arith.addi %mul3A_0, %arg0 : i32
    %mul3A_1 = arith.constant 640 : i32
    %mul3A_2 = arith.muli %arg1, %mul3A_1 : i32
    "tpu.region"() ({
      %run_scoped3A = tpu.sem_alloc : memref<!tpu.dma_semaphore, #tpu.memory_space<semaphore_mem>>
      %dma_start3A_54 = arith.constant 0 : i32
      %dma_start3A_55 = tpu.memref_slice %arg9[%mul3A_2, %dma_start3A_54] : memref<10240x128xf32, #tpu.memory_space<vmem_shared>> -> memref<640x128xf32, #tpu.memory_space<vmem_shared>>
      %dma_start3A_56 = arith.constant 0 : i32
      %dma_start3A_57 = tpu.memref_slice %arg2[%mul3A_2, %dma_start3A_56] : memref<10240x128xf32, #tpu.memory_space<hbm>> -> memref<640x128xf32, #tpu.memory_space<hbm>>
      tpu.enqueue_dma source(%dma_start3A_57 : memref<640x128xf32, #tpu.memory_space<hbm>>) target(%dma_start3A_55 : memref<640x128xf32, #tpu.memory_space<vmem_shared>>) target_semaphore(%run_scoped3A : memref<!tpu.dma_semaphore, #tpu.memory_space<semaphore_mem>>)
      %dma_wait3A = arith.constant 0 : i32
      %dma_wait3A_58 = tpu.memref_slice %arg9[%mul3A_2, %dma_wait3A] : memref<10240x128xf32, #tpu.memory_space<vmem_shared>> -> memref<640x128xf32, #tpu.memory_space<vmem_shared>>
      %dma_wait3A_59 = arith.constant 0 : i32
      %dma_wait3A_60 = tpu.memref_slice %arg2[%mul3A_2, %dma_wait3A_59] : memref<10240x128xf32, #tpu.memory_space<hbm>> -> memref<640x128xf32, #tpu.memory_space<hbm>>
      tpu.wait_dma2 semaphore(%run_scoped3A : memref<!tpu.dma_semaphore, #tpu.memory_space<semaphore_mem>>) src(%dma_wait3A_60 : memref<640x128xf32, #tpu.memory_space<hbm>>) dst(%dma_wait3A_58 : memref<640x128xf32, #tpu.memory_space<vmem_shared>>)
      tpu.yield
    }) : () -> ()
    %barrier3A = arith.constant 0 : index
    tpu.barrier barrier_id(%barrier3A)
    %mul3A_3 = arith.constant 80 : i32
    %mul3A_4 = arith.muli %add3A, %mul3A_3 : i32
    %add3A_5 = arith.constant 0 : i32
    %add3A_6 = arith.addi %mul3A_4, %add3A_5 : i32
    "tpu.region"() ({
      %run_scoped3A = tpu.sem_alloc : memref<!tpu.dma_semaphore, #tpu.memory_space<semaphore_mem>>
      %dma_start3A_54 = arith.constant 0 : i32
      %dma_start3A_55 = tpu.memref_slice %arg3[%add3A_6, %dma_start3A_54] : memref<2560x128xi32, #tpu.memory_space<hbm>> -> memref<80x128xi32, #tpu.memory_space<hbm>>
      %dma_start3A_56 = arith.constant 0 : i32
      %dma_start3A_57 = tpu.memref_slice %arg3[%add3A_6, %dma_start3A_56] : memref<2560x128xi32, #tpu.memory_space<hbm>> -> memref<80x128xi32, #tpu.memory_space<hbm>>
      tpu.enqueue_dma source(%dma_start3A_57 : memref<80x128xi32, #tpu.memory_space<hbm>>) target(%arg8 : memref<80x128xi32, #tpu.memory_space<vmem>>) target_semaphore(%run_scoped3A : memref<!tpu.dma_semaphore, #tpu.memory_space<semaphore_mem>>)
      %dma_wait3A = arith.constant 0 : i32
      %dma_wait3A_58 = tpu.memref_slice %arg3[%add3A_6, %dma_wait3A] : memref<2560x128xi32, #tpu.memory_space<hbm>> -> memref<80x128xi32, #tpu.memory_space<hbm>>
      %dma_wait3A_59 = arith.constant 0 : i32
      %dma_wait3A_60 = tpu.memref_slice %arg3[%add3A_6, %dma_wait3A_59] : memref<2560x128xi32, #tpu.memory_space<hbm>> -> memref<80x128xi32, #tpu.memory_space<hbm>>
      tpu.wait_dma2 semaphore(%run_scoped3A : memref<!tpu.dma_semaphore, #tpu.memory_space<semaphore_mem>>) src(%dma_wait3A_60 : memref<80x128xi32, #tpu.memory_space<hbm>>) dst(%arg8 : memref<80x128xi32, #tpu.memory_space<vmem>>)
      tpu.yield
    }) : () -> ()
    %dma_start3A = arith.constant 0 : i32
    %dma_start3A_7 = arith.constant 0 : i32
    %dma_start3A_8 = tpu.memref_slice %arg8[%dma_start3A, %dma_start3A_7] : memref<80x128xi32, #tpu.memory_space<vmem>> -> memref<1x128xi32, #tpu.memory_space<vmem>>
    %dma_start3A_9 = tpu.memref_squeeze %dma_start3A_8 : memref<1x128xi32, #tpu.memory_space<vmem>> -> memref<128xi32, #tpu.memory_space<vmem>>
    %dma_start3A_10 = arith.constant 0 : i32
    %dma_start3A_11 = arith.constant 0 : i32
    %dma_start3A_12 = tpu.memref_slice %arg9[%dma_start3A_10, %dma_start3A_11] : memref<10240x128xf32, #tpu.memory_space<vmem_shared>> -> memref<10240x128xf32, #tpu.memory_space<vmem_shared>>
    tpu.enqueue_indirect_dma source(%dma_start3A_12 : memref<10240x128xf32, #tpu.memory_space<vmem_shared>>) target(%arg14 : memref<128x128xf32, #tpu.memory_space<vmem>>) offsets(%dma_start3A_9 : memref<128xi32, #tpu.memory_space<vmem>>) semaphore(%arg10 : memref<!tpu.dma_semaphore, #tpu.memory_space<semaphore_mem>>)
    %dma_start3A_13 = arith.constant 1 : i32
    %dma_start3A_14 = arith.constant 0 : i32
    %dma_start3A_15 = tpu.memref_slice %arg8[%dma_start3A_13, %dma_start3A_14] : memref<80x128xi32, #tpu.memory_space<vmem>> -> memref<1x128xi32, #tpu.memory_space<vmem>>
    %dma_start3A_16 = tpu.memref_squeeze %dma_start3A_15 : memref<1x128xi32, #tpu.memory_space<vmem>> -> memref<128xi32, #tpu.memory_space<vmem>>
    %dma_start3A_17 = arith.constant 0 : i32
    %dma_start3A_18 = arith.constant 0 : i32
    %dma_start3A_19 = tpu.memref_slice %arg9[%dma_start3A_17, %dma_start3A_18] : memref<10240x128xf32, #tpu.memory_space<vmem_shared>> -> memref<10240x128xf32, #tpu.memory_space<vmem_shared>>
    tpu.enqueue_indirect_dma source(%dma_start3A_19 : memref<10240x128xf32, #tpu.memory_space<vmem_shared>>) target(%arg15 : memref<128x128xf32, #tpu.memory_space<vmem>>) offsets(%dma_start3A_16 : memref<128xi32, #tpu.memory_space<vmem>>) semaphore(%arg11 : memref<!tpu.dma_semaphore, #tpu.memory_space<semaphore_mem>>)
    %scan3A = arith.constant 0 : i32
    %scan3A_20 = arith.constant 0 : i32
    %scan3A_21 = arith.constant 40 : i32
    %scan3A_22 = arith.addi %scan3A_20, %scan3A_21 : i32
    %scan3A_23 = arith.constant 1 : i32
    scf.for %scan3A_54 = %scan3A_20 to %scan3A_22 step %scan3A_23  : i32 {
      %mul3A_55 = arith.constant 2 : i32
      %mul3A_56 = arith.muli %scan3A_54, %mul3A_55 : i32
      %add3A_57 = arith.constant 0 : i32
      %add3A_58 = arith.addi %mul3A_56, %add3A_57 : i32
      %dma_wait3A = arith.constant 0 : i32
      %dma_wait3A_59 = tpu.memref_slice %arg8[%add3A_58, %dma_wait3A] : memref<80x128xi32, #tpu.memory_space<vmem>> -> memref<1x128xi32, #tpu.memory_space<vmem>>
      %dma_wait3A_60 = tpu.memref_squeeze %dma_wait3A_59 : memref<1x128xi32, #tpu.memory_space<vmem>> -> memref<128xi32, #tpu.memory_space<vmem>>
      %dma_wait3A_61 = arith.constant 0 : i32
      %dma_wait3A_62 = arith.constant 0 : i32
      %dma_wait3A_63 = tpu.memref_slice %arg9[%dma_wait3A_61, %dma_wait3A_62] : memref<10240x128xf32, #tpu.memory_space<vmem_shared>> -> memref<10240x128xf32, #tpu.memory_space<vmem_shared>>
      tpu.wait_indirect_dma semaphore(%arg10 : memref<!tpu.dma_semaphore, #tpu.memory_space<semaphore_mem>>) src(%dma_wait3A_63 : memref<10240x128xf32, #tpu.memory_space<vmem_shared>>) dst(%arg14 : memref<128x128xf32, #tpu.memory_space<vmem>>)
      %add3A_64 = arith.addi %add3A_6, %add3A_58 : i32
      %mul3A_65 = arith.constant 128 : i32
      %mul3A_66 = arith.muli %add3A_64, %mul3A_65 : i32
      %dma_start3A_67 = arith.constant 0 : i32
      %dma_start3A_68 = tpu.memref_slice %arg7[%mul3A_66, %dma_start3A_67] : memref<327680x128xf32, #tpu.memory_space<hbm>> -> memref<128x128xf32, #tpu.memory_space<hbm>>
      %dma_start3A_69 = arith.constant 0 : i32
      %dma_start3A_70 = tpu.memref_slice %arg7[%mul3A_66, %dma_start3A_69] : memref<327680x128xf32, #tpu.memory_space<hbm>> -> memref<128x128xf32, #tpu.memory_space<hbm>>
      tpu.enqueue_dma source(%arg14 : memref<128x128xf32, #tpu.memory_space<vmem>>) target(%dma_start3A_70 : memref<128x128xf32, #tpu.memory_space<hbm>>) target_semaphore(%arg12 : memref<!tpu.dma_semaphore, #tpu.memory_space<semaphore_mem>>)
      %lt3A = arith.constant 39 : i32
      %lt3A_71 = arith.cmpi slt, %scan3A_54, %lt3A : i32
      %convert_element_type3A = arith.extui %lt3A_71 : i1 to i32
      %cond3A = arith.constant 0 : i32
      %cond3A_72 = arith.cmpi ne, %convert_element_type3A, %cond3A : i32
      scf.if %cond3A_72 {
        %dma_wait3A_104 = arith.constant 0 : i32
        %dma_wait3A_105 = tpu.memref_slice %arg7[%mul3A_66, %dma_wait3A_104] : memref<327680x128xf32, #tpu.memory_space<hbm>> -> memref<128x128xf32, #tpu.memory_space<hbm>>
        %dma_wait3A_106 = arith.constant 0 : i32
        %dma_wait3A_107 = tpu.memref_slice %arg7[%mul3A_66, %dma_wait3A_106] : memref<327680x128xf32, #tpu.memory_space<hbm>> -> memref<128x128xf32, #tpu.memory_space<hbm>>
        tpu.wait_dma2 semaphore(%arg12 : memref<!tpu.dma_semaphore, #tpu.memory_space<semaphore_mem>>) src(%arg14 : memref<128x128xf32, #tpu.memory_space<vmem>>) dst(%dma_wait3A_107 : memref<128x128xf32, #tpu.memory_space<hbm>>)
        %add3A_108 = arith.constant 2 : i32
        %add3A_109 = arith.addi %add3A_58, %add3A_108 : i32
        %dma_start3A_110 = arith.constant 0 : i32
        %dma_start3A_111 = tpu.memref_slice %arg8[%add3A_109, %dma_start3A_110] : memref<80x128xi32, #tpu.memory_space<vmem>> -> memref<1x128xi32, #tpu.memory_space<vmem>>
        %dma_start3A_112 = tpu.memref_squeeze %dma_start3A_111 : memref<1x128xi32, #tpu.memory_space<vmem>> -> memref<128xi32, #tpu.memory_space<vmem>>
        %dma_start3A_113 = arith.constant 0 : i32
        %dma_start3A_114 = arith.constant 0 : i32
        %dma_start3A_115 = tpu.memref_slice %arg9[%dma_start3A_113, %dma_start3A_114] : memref<10240x128xf32, #tpu.memory_space<vmem_shared>> -> memref<10240x128xf32, #tpu.memory_space<vmem_shared>>
        tpu.enqueue_indirect_dma source(%dma_start3A_115 : memref<10240x128xf32, #tpu.memory_space<vmem_shared>>) target(%arg14 : memref<128x128xf32, #tpu.memory_space<vmem>>) offsets(%dma_start3A_112 : memref<128xi32, #tpu.memory_space<vmem>>) semaphore(%arg10 : memref<!tpu.dma_semaphore, #tpu.memory_space<semaphore_mem>>)
      } else {
      }
      %eq3A = arith.constant 39 : i32
      %eq3A_73 = arith.cmpi eq, %scan3A_54, %eq3A : i32
      %convert_element_type3A_74 = arith.extui %eq3A_73 : i1 to i32
      %cond3A_75 = arith.constant 0 : i32
      %cond3A_76 = arith.cmpi ne, %convert_element_type3A_74, %cond3A_75 : i32
      scf.if %cond3A_76 {
        %dma_wait3A_104 = arith.constant 0 : i32
        %dma_wait3A_105 = tpu.memref_slice %arg7[%mul3A_66, %dma_wait3A_104] : memref<327680x128xf32, #tpu.memory_space<hbm>> -> memref<128x128xf32, #tpu.memory_space<hbm>>
        %dma_wait3A_106 = arith.constant 0 : i32
        %dma_wait3A_107 = tpu.memref_slice %arg7[%mul3A_66, %dma_wait3A_106] : memref<327680x128xf32, #tpu.memory_space<hbm>> -> memref<128x128xf32, #tpu.memory_space<hbm>>
        tpu.wait_dma2 semaphore(%arg12 : memref<!tpu.dma_semaphore, #tpu.memory_space<semaphore_mem>>) src(%arg14 : memref<128x128xf32, #tpu.memory_space<vmem>>) dst(%dma_wait3A_107 : memref<128x128xf32, #tpu.memory_space<hbm>>)
      } else {
      }
      %mul3A_77 = arith.constant 2 : i32
      %mul3A_78 = arith.muli %scan3A_54, %mul3A_77 : i32
      %add3A_79 = arith.constant 1 : i32
      %add3A_80 = arith.addi %mul3A_78, %add3A_79 : i32
      %dma_wait3A_81 = arith.constant 0 : i32
      %dma_wait3A_82 = tpu.memref_slice %arg8[%add3A_80, %dma_wait3A_81] : memref<80x128xi32, #tpu.memory_space<vmem>> -> memref<1x128xi32, #tpu.memory_space<vmem>>
      %dma_wait3A_83 = tpu.memref_squeeze %dma_wait3A_82 : memref<1x128xi32, #tpu.memory_space<vmem>> -> memref<128xi32, #tpu.memory_space<vmem>>
      %dma_wait3A_84 = arith.constant 0 : i32
      %dma_wait3A_85 = arith.constant 0 : i32
      %dma_wait3A_86 = tpu.memref_slice %arg9[%dma_wait3A_84, %dma_wait3A_85] : memref<10240x128xf32, #tpu.memory_space<vmem_shared>> -> memref<10240x128xf32, #tpu.memory_space<vmem_shared>>
      tpu.wait_indirect_dma semaphore(%arg11 : memref<!tpu.dma_semaphore, #tpu.memory_space<semaphore_mem>>) src(%dma_wait3A_86 : memref<10240x128xf32, #tpu.memory_space<vmem_shared>>) dst(%arg15 : memref<128x128xf32, #tpu.memory_space<vmem>>)
      %add3A_87 = arith.addi %add3A_6, %add3A_80 : i32
      %mul3A_88 = arith.constant 128 : i32
      %mul3A_89 = arith.muli %add3A_87, %mul3A_88 : i32
      %dma_start3A_90 = arith.constant 0 : i32
      %dma_start3A_91 = tpu.memref_slice %arg7[%mul3A_89, %dma_start3A_90] : memref<327680x128xf32, #tpu.memory_space<hbm>> -> memref<128x128xf32, #tpu.memory_space<hbm>>
      %dma_start3A_92 = arith.constant 0 : i32
      %dma_start3A_93 = tpu.memref_slice %arg7[%mul3A_89, %dma_start3A_92] : memref<327680x128xf32, #tpu.memory_space<hbm>> -> memref<128x128xf32, #tpu.memory_space<hbm>>
      tpu.enqueue_dma source(%arg15 : memref<128x128xf32, #tpu.memory_space<vmem>>) target(%dma_start3A_93 : memref<128x128xf32, #tpu.memory_space<hbm>>) target_semaphore(%arg13 : memref<!tpu.dma_semaphore, #tpu.memory_space<semaphore_mem>>)
      %lt3A_94 = arith.constant 39 : i32
      %lt3A_95 = arith.cmpi slt, %scan3A_54, %lt3A_94 : i32
      %convert_element_type3A_96 = arith.extui %lt3A_95 : i1 to i32
      %cond3A_97 = arith.constant 0 : i32
      %cond3A_98 = arith.cmpi ne, %convert_element_type3A_96, %cond3A_97 : i32
      scf.if %cond3A_98 {
        %dma_wait3A_104 = arith.constant 0 : i32
        %dma_wait3A_105 = tpu.memref_slice %arg7[%mul3A_89, %dma_wait3A_104] : memref<327680x128xf32, #tpu.memory_space<hbm>> -> memref<128x128xf32, #tpu.memory_space<hbm>>
        %dma_wait3A_106 = arith.constant 0 : i32
        %dma_wait3A_107 = tpu.memref_slice %arg7[%mul3A_89, %dma_wait3A_106] : memref<327680x128xf32, #tpu.memory_space<hbm>> -> memref<128x128xf32, #tpu.memory_space<hbm>>
        tpu.wait_dma2 semaphore(%arg13 : memref<!tpu.dma_semaphore, #tpu.memory_space<semaphore_mem>>) src(%arg15 : memref<128x128xf32, #tpu.memory_space<vmem>>) dst(%dma_wait3A_107 : memref<128x128xf32, #tpu.memory_space<hbm>>)
        %add3A_108 = arith.constant 2 : i32
        %add3A_109 = arith.addi %add3A_80, %add3A_108 : i32
        %dma_start3A_110 = arith.constant 0 : i32
        %dma_start3A_111 = tpu.memref_slice %arg8[%add3A_109, %dma_start3A_110] : memref<80x128xi32, #tpu.memory_space<vmem>> -> memref<1x128xi32, #tpu.memory_space<vmem>>
        %dma_start3A_112 = tpu.memref_squeeze %dma_start3A_111 : memref<1x128xi32, #tpu.memory_space<vmem>> -> memref<128xi32, #tpu.memory_space<vmem>>
        %dma_start3A_113 = arith.constant 0 : i32
        %dma_start3A_114 = arith.constant 0 : i32
        %dma_start3A_115 = tpu.memref_slice %arg9[%dma_start3A_113, %dma_start3A_114] : memref<10240x128xf32, #tpu.memory_space<vmem_shared>> -> memref<10240x128xf32, #tpu.memory_space<vmem_shared>>
        tpu.enqueue_indirect_dma source(%dma_start3A_115 : memref<10240x128xf32, #tpu.memory_space<vmem_shared>>) target(%arg15 : memref<128x128xf32, #tpu.memory_space<vmem>>) offsets(%dma_start3A_112 : memref<128xi32, #tpu.memory_space<vmem>>) semaphore(%arg11 : memref<!tpu.dma_semaphore, #tpu.memory_space<semaphore_mem>>)
      } else {
      }
      %eq3A_99 = arith.constant 39 : i32
      %eq3A_100 = arith.cmpi eq, %scan3A_54, %eq3A_99 : i32
      %convert_element_type3A_101 = arith.extui %eq3A_100 : i1 to i32
      %cond3A_102 = arith.constant 0 : i32
      %cond3A_103 = arith.cmpi ne, %convert_element_type3A_101, %cond3A_102 : i32
      scf.if %cond3A_103 {
        %dma_wait3A_104 = arith.constant 0 : i32
        %dma_wait3A_105 = tpu.memref_slice %arg7[%mul3A_89, %dma_wait3A_104] : memref<327680x128xf32, #tpu.memory_space<hbm>> -> memref<128x128xf32, #tpu.memory_space<hbm>>
        %dma_wait3A_106 = arith.constant 0 : i32
        %dma_wait3A_107 = tpu.memref_slice %arg7[%mul3A_89, %dma_wait3A_106] : memref<327680x128xf32, #tpu.memory_space<hbm>> -> memref<128x128xf32, #tpu.memory_space<hbm>>
        tpu.wait_dma2 semaphore(%arg13 : memref<!tpu.dma_semaphore, #tpu.memory_space<semaphore_mem>>) src(%arg15 : memref<128x128xf32, #tpu.memory_space<vmem>>) dst(%dma_wait3A_107 : memref<128x128xf32, #tpu.memory_space<hbm>>)
      } else {
      }
    }
    %scan3A_24 = arith.constant 40 : i32
    %barrier3A_25 = arith.constant 0 : index
    tpu.barrier barrier_id(%barrier3A_25)
    "tpu.region"() ({
      %run_scoped3A = tpu.sem_alloc : memref<!tpu.dma_semaphore, #tpu.memory_space<semaphore_mem>>
      %dma_start3A_54 = arith.constant 0 : i32
      %dma_start3A_55 = tpu.memref_slice %arg9[%mul3A_2, %dma_start3A_54] : memref<10240x128xf32, #tpu.memory_space<vmem_shared>> -> memref<640x128xf32, #tpu.memory_space<vmem_shared>>
      tpu.enqueue_dma source(%arg5 : memref<640x128xf32, #tpu.memory_space<hbm>>) target(%dma_start3A_55 : memref<640x128xf32, #tpu.memory_space<vmem_shared>>) target_semaphore(%run_scoped3A : memref<!tpu.dma_semaphore, #tpu.memory_space<semaphore_mem>>)
      %dma_wait3A = arith.constant 0 : i32
      %dma_wait3A_56 = tpu.memref_slice %arg9[%mul3A_2, %dma_wait3A] : memref<10240x128xf32, #tpu.memory_space<vmem_shared>> -> memref<640x128xf32, #tpu.memory_space<vmem_shared>>
      tpu.wait_dma2 semaphore(%run_scoped3A : memref<!tpu.dma_semaphore, #tpu.memory_space<semaphore_mem>>) src(%arg5 : memref<640x128xf32, #tpu.memory_space<hbm>>) dst(%dma_wait3A_56 : memref<640x128xf32, #tpu.memory_space<vmem_shared>>)
      tpu.yield
    }) : () -> ()
    %barrier3A_26 = arith.constant 0 : index
    tpu.barrier barrier_id(%barrier3A_26)
    %mul3A_27 = arith.constant 80 : i32
    %mul3A_28 = arith.muli %add3A, %mul3A_27 : i32
    %add3A_29 = arith.constant 0 : i32
    %add3A_30 = arith.addi %mul3A_28, %add3A_29 : i32
    "tpu.region"() ({
      %run_scoped3A = tpu.sem_alloc : memref<!tpu.dma_semaphore, #tpu.memory_space<semaphore_mem>>
      %dma_start3A_54 = arith.constant 0 : i32
      %dma_start3A_55 = tpu.memref_slice %arg4[%add3A_30, %dma_start3A_54] : memref<2560x128xi32, #tpu.memory_space<hbm>> -> memref<80x128xi32, #tpu.memory_space<hbm>>
      %dma_start3A_56 = arith.constant 0 : i32
      %dma_start3A_57 = tpu.memref_slice %arg4[%add3A_30, %dma_start3A_56] : memref<2560x128xi32, #tpu.memory_space<hbm>> -> memref<80x128xi32, #tpu.memory_space<hbm>>
      tpu.enqueue_dma source(%dma_start3A_57 : memref<80x128xi32, #tpu.memory_space<hbm>>) target(%arg8 : memref<80x128xi32, #tpu.memory_space<vmem>>) target_semaphore(%run_scoped3A : memref<!tpu.dma_semaphore, #tpu.memory_space<semaphore_mem>>)
      %dma_wait3A = arith.constant 0 : i32
      %dma_wait3A_58 = tpu.memref_slice %arg4[%add3A_30, %dma_wait3A] : memref<2560x128xi32, #tpu.memory_space<hbm>> -> memref<80x128xi32, #tpu.memory_space<hbm>>
      %dma_wait3A_59 = arith.constant 0 : i32
      %dma_wait3A_60 = tpu.memref_slice %arg4[%add3A_30, %dma_wait3A_59] : memref<2560x128xi32, #tpu.memory_space<hbm>> -> memref<80x128xi32, #tpu.memory_space<hbm>>
      tpu.wait_dma2 semaphore(%run_scoped3A : memref<!tpu.dma_semaphore, #tpu.memory_space<semaphore_mem>>) src(%dma_wait3A_60 : memref<80x128xi32, #tpu.memory_space<hbm>>) dst(%arg8 : memref<80x128xi32, #tpu.memory_space<vmem>>)
      tpu.yield
    }) : () -> ()
    %add3A_31 = arith.constant 0 : i32
    %add3A_32 = arith.addi %add3A_30, %add3A_31 : i32
    %mul3A_33 = arith.constant 128 : i32
    %mul3A_34 = arith.muli %add3A_32, %mul3A_33 : i32
    %dma_start3A_35 = arith.constant 0 : i32
    %dma_start3A_36 = tpu.memref_slice %arg7[%mul3A_34, %dma_start3A_35] : memref<327680x128xf32, #tpu.memory_space<hbm>> -> memref<128x128xf32, #tpu.memory_space<hbm>>
    %dma_start3A_37 = arith.constant 0 : i32
    %dma_start3A_38 = tpu.memref_slice %arg7[%mul3A_34, %dma_start3A_37] : memref<327680x128xf32, #tpu.memory_space<hbm>> -> memref<128x128xf32, #tpu.memory_space<hbm>>
    tpu.enqueue_dma source(%dma_start3A_38 : memref<128x128xf32, #tpu.memory_space<hbm>>) target(%arg14 : memref<128x128xf32, #tpu.memory_space<vmem>>) target_semaphore(%arg10 : memref<!tpu.dma_semaphore, #tpu.memory_space<semaphore_mem>>)
    %add3A_39 = arith.constant 1 : i32
    %add3A_40 = arith.addi %add3A_30, %add3A_39 : i32
    %mul3A_41 = arith.constant 128 : i32
    %mul3A_42 = arith.muli %add3A_40, %mul3A_41 : i32
    %dma_start3A_43 = arith.constant 0 : i32
    %dma_start3A_44 = tpu.memref_slice %arg7[%mul3A_42, %dma_start3A_43] : memref<327680x128xf32, #tpu.memory_space<hbm>> -> memref<128x128xf32, #tpu.memory_space<hbm>>
    %dma_start3A_45 = arith.constant 0 : i32
    %dma_start3A_46 = tpu.memref_slice %arg7[%mul3A_42, %dma_start3A_45] : memref<327680x128xf32, #tpu.memory_space<hbm>> -> memref<128x128xf32, #tpu.memory_space<hbm>>
    tpu.enqueue_dma source(%dma_start3A_46 : memref<128x128xf32, #tpu.memory_space<hbm>>) target(%arg15 : memref<128x128xf32, #tpu.memory_space<vmem>>) target_semaphore(%arg11 : memref<!tpu.dma_semaphore, #tpu.memory_space<semaphore_mem>>)
    %scan3A_47 = arith.constant 0 : i32
    %scan3A_48 = arith.constant 0 : i32
    %scan3A_49 = arith.constant 40 : i32
    %scan3A_50 = arith.addi %scan3A_48, %scan3A_49 : i32
    %scan3A_51 = arith.constant 1 : i32
    scf.for %scan3A_54 = %scan3A_48 to %scan3A_50 step %scan3A_51  : i32 {
      %mul3A_55 = arith.constant 2 : i32
      %mul3A_56 = arith.muli %scan3A_54, %mul3A_55 : i32
      %add3A_57 = arith.constant 0 : i32
      %add3A_58 = arith.addi %mul3A_56, %add3A_57 : i32
      %add3A_59 = arith.addi %add3A_30, %add3A_58 : i32
      %mul3A_60 = arith.constant 128 : i32
      %mul3A_61 = arith.muli %add3A_59, %mul3A_60 : i32
      %dma_wait3A = arith.constant 0 : i32
      %dma_wait3A_62 = tpu.memref_slice %arg7[%mul3A_61, %dma_wait3A] : memref<327680x128xf32, #tpu.memory_space<hbm>> -> memref<128x128xf32, #tpu.memory_space<hbm>>
      %dma_wait3A_63 = arith.constant 0 : i32
      %dma_wait3A_64 = tpu.memref_slice %arg7[%mul3A_61, %dma_wait3A_63] : memref<327680x128xf32, #tpu.memory_space<hbm>> -> memref<128x128xf32, #tpu.memory_space<hbm>>
      tpu.wait_dma2 semaphore(%arg10 : memref<!tpu.dma_semaphore, #tpu.memory_space<semaphore_mem>>) src(%dma_wait3A_64 : memref<128x128xf32, #tpu.memory_space<hbm>>) dst(%arg14 : memref<128x128xf32, #tpu.memory_space<vmem>>)
      "tpu.region"() ({
        %run_scoped3A = tpu.sem_alloc : memref<!tpu.dma_semaphore, #tpu.memory_space<semaphore_mem>>
        %dma_start3A_83 = arith.constant 0 : i32
        %dma_start3A_84 = tpu.memref_slice %arg8[%add3A_58, %dma_start3A_83] : memref<80x128xi32, #tpu.memory_space<vmem>> -> memref<1x128xi32, #tpu.memory_space<vmem>>
        %dma_start3A_85 = tpu.memref_squeeze %dma_start3A_84 : memref<1x128xi32, #tpu.memory_space<vmem>> -> memref<128xi32, #tpu.memory_space<vmem>>
        %dma_start3A_86 = arith.constant 0 : i32
        %dma_start3A_87 = arith.constant 0 : i32
        %dma_start3A_88 = tpu.memref_slice %arg9[%dma_start3A_86, %dma_start3A_87] : memref<10240x128xf32, #tpu.memory_space<vmem_shared>> -> memref<10240x128xf32, #tpu.memory_space<vmem_shared>>
        tpu.enqueue_indirect_dma source(%arg14 : memref<128x128xf32, #tpu.memory_space<vmem>>) target(%dma_start3A_88 : memref<10240x128xf32, #tpu.memory_space<vmem_shared>>) offsets(%dma_start3A_85 : memref<128xi32, #tpu.memory_space<vmem>>) semaphore(%run_scoped3A : memref<!tpu.dma_semaphore, #tpu.memory_space<semaphore_mem>>) {add = true}
        %dma_wait3A_89 = arith.constant 0 : i32
        %dma_wait3A_90 = tpu.memref_slice %arg8[%add3A_58, %dma_wait3A_89] : memref<80x128xi32, #tpu.memory_space<vmem>> -> memref<1x128xi32, #tpu.memory_space<vmem>>
        %dma_wait3A_91 = tpu.memref_squeeze %dma_wait3A_90 : memref<1x128xi32, #tpu.memory_space<vmem>> -> memref<128xi32, #tpu.memory_space<vmem>>
        %dma_wait3A_92 = arith.constant 0 : i32
        %dma_wait3A_93 = arith.constant 0 : i32
        %dma_wait3A_94 = tpu.memref_slice %arg9[%dma_wait3A_92, %dma_wait3A_93] : memref<10240x128xf32, #tpu.memory_space<vmem_shared>> -> memref<10240x128xf32, #tpu.memory_space<vmem_shared>>
        tpu.wait_indirect_dma semaphore(%run_scoped3A : memref<!tpu.dma_semaphore, #tpu.memory_space<semaphore_mem>>) src(%arg14 : memref<128x128xf32, #tpu.memory_space<vmem>>) dst(%dma_wait3A_94 : memref<10240x128xf32, #tpu.memory_space<vmem_shared>>)
        tpu.yield
      }) : () -> ()
      %lt3A = arith.constant 39 : i32
      %lt3A_65 = arith.cmpi slt, %scan3A_54, %lt3A : i32
      %convert_element_type3A = arith.extui %lt3A_65 : i1 to i32
      %cond3A = arith.constant 0 : i32
      %cond3A_66 = arith.cmpi ne, %convert_element_type3A, %cond3A : i32
      scf.if %cond3A_66 {
        %add3A_83 = arith.addi %add3A_30, %add3A_58 : i32
        %add3A_84 = arith.constant 2 : i32
        %add3A_85 = arith.addi %add3A_83, %add3A_84 : i32
        %mul3A_86 = arith.constant 128 : i32
        %mul3A_87 = arith.muli %add3A_85, %mul3A_86 : i32
        %dma_start3A_88 = arith.constant 0 : i32
        %dma_start3A_89 = tpu.memref_slice %arg7[%mul3A_87, %dma_start3A_88] : memref<327680x128xf32, #tpu.memory_space<hbm>> -> memref<128x128xf32, #tpu.memory_space<hbm>>
        %dma_start3A_90 = arith.constant 0 : i32
        %dma_start3A_91 = tpu.memref_slice %arg7[%mul3A_87, %dma_start3A_90] : memref<327680x128xf32, #tpu.memory_space<hbm>> -> memref<128x128xf32, #tpu.memory_space<hbm>>
        tpu.enqueue_dma source(%dma_start3A_91 : memref<128x128xf32, #tpu.memory_space<hbm>>) target(%arg14 : memref<128x128xf32, #tpu.memory_space<vmem>>) target_semaphore(%arg10 : memref<!tpu.dma_semaphore, #tpu.memory_space<semaphore_mem>>)
      } else {
      }
      %mul3A_67 = arith.constant 2 : i32
      %mul3A_68 = arith.muli %scan3A_54, %mul3A_67 : i32
      %add3A_69 = arith.constant 1 : i32
      %add3A_70 = arith.addi %mul3A_68, %add3A_69 : i32
      %add3A_71 = arith.addi %add3A_30, %add3A_70 : i32
      %mul3A_72 = arith.constant 128 : i32
      %mul3A_73 = arith.muli %add3A_71, %mul3A_72 : i32
      %dma_wait3A_74 = arith.constant 0 : i32
      %dma_wait3A_75 = tpu.memref_slice %arg7[%mul3A_73, %dma_wait3A_74] : memref<327680x128xf32, #tpu.memory_space<hbm>> -> memref<128x128xf32, #tpu.memory_space<hbm>>
      %dma_wait3A_76 = arith.constant 0 : i32
      %dma_wait3A_77 = tpu.memref_slice %arg7[%mul3A_73, %dma_wait3A_76] : memref<327680x128xf32, #tpu.memory_space<hbm>> -> memref<128x128xf32, #tpu.memory_space<hbm>>
      tpu.wait_dma2 semaphore(%arg11 : memref<!tpu.dma_semaphore, #tpu.memory_space<semaphore_mem>>) src(%dma_wait3A_77 : memref<128x128xf32, #tpu.memory_space<hbm>>) dst(%arg15 : memref<128x128xf32, #tpu.memory_space<vmem>>)
      "tpu.region"() ({
        %run_scoped3A = tpu.sem_alloc : memref<!tpu.dma_semaphore, #tpu.memory_space<semaphore_mem>>
        %dma_start3A_83 = arith.constant 0 : i32
        %dma_start3A_84 = tpu.memref_slice %arg8[%add3A_70, %dma_start3A_83] : memref<80x128xi32, #tpu.memory_space<vmem>> -> memref<1x128xi32, #tpu.memory_space<vmem>>
        %dma_start3A_85 = tpu.memref_squeeze %dma_start3A_84 : memref<1x128xi32, #tpu.memory_space<vmem>> -> memref<128xi32, #tpu.memory_space<vmem>>
        %dma_start3A_86 = arith.constant 0 : i32
        %dma_start3A_87 = arith.constant 0 : i32
        %dma_start3A_88 = tpu.memref_slice %arg9[%dma_start3A_86, %dma_start3A_87] : memref<10240x128xf32, #tpu.memory_space<vmem_shared>> -> memref<10240x128xf32, #tpu.memory_space<vmem_shared>>
        tpu.enqueue_indirect_dma source(%arg15 : memref<128x128xf32, #tpu.memory_space<vmem>>) target(%dma_start3A_88 : memref<10240x128xf32, #tpu.memory_space<vmem_shared>>) offsets(%dma_start3A_85 : memref<128xi32, #tpu.memory_space<vmem>>) semaphore(%run_scoped3A : memref<!tpu.dma_semaphore, #tpu.memory_space<semaphore_mem>>) {add = true}
        %dma_wait3A_89 = arith.constant 0 : i32
        %dma_wait3A_90 = tpu.memref_slice %arg8[%add3A_70, %dma_wait3A_89] : memref<80x128xi32, #tpu.memory_space<vmem>> -> memref<1x128xi32, #tpu.memory_space<vmem>>
        %dma_wait3A_91 = tpu.memref_squeeze %dma_wait3A_90 : memref<1x128xi32, #tpu.memory_space<vmem>> -> memref<128xi32, #tpu.memory_space<vmem>>
        %dma_wait3A_92 = arith.constant 0 : i32
        %dma_wait3A_93 = arith.constant 0 : i32
        %dma_wait3A_94 = tpu.memref_slice %arg9[%dma_wait3A_92, %dma_wait3A_93] : memref<10240x128xf32, #tpu.memory_space<vmem_shared>> -> memref<10240x128xf32, #tpu.memory_space<vmem_shared>>
        tpu.wait_indirect_dma semaphore(%run_scoped3A : memref<!tpu.dma_semaphore, #tpu.memory_space<semaphore_mem>>) src(%arg15 : memref<128x128xf32, #tpu.memory_space<vmem>>) dst(%dma_wait3A_94 : memref<10240x128xf32, #tpu.memory_space<vmem_shared>>)
        tpu.yield
      }) : () -> ()
      %lt3A_78 = arith.constant 39 : i32
      %lt3A_79 = arith.cmpi slt, %scan3A_54, %lt3A_78 : i32
      %convert_element_type3A_80 = arith.extui %lt3A_79 : i1 to i32
      %cond3A_81 = arith.constant 0 : i32
      %cond3A_82 = arith.cmpi ne, %convert_element_type3A_80, %cond3A_81 : i32
      scf.if %cond3A_82 {
        %add3A_83 = arith.addi %add3A_30, %add3A_70 : i32
        %add3A_84 = arith.constant 2 : i32
        %add3A_85 = arith.addi %add3A_83, %add3A_84 : i32
        %mul3A_86 = arith.constant 128 : i32
        %mul3A_87 = arith.muli %add3A_85, %mul3A_86 : i32
        %dma_start3A_88 = arith.constant 0 : i32
        %dma_start3A_89 = tpu.memref_slice %arg7[%mul3A_87, %dma_start3A_88] : memref<327680x128xf32, #tpu.memory_space<hbm>> -> memref<128x128xf32, #tpu.memory_space<hbm>>
        %dma_start3A_90 = arith.constant 0 : i32
        %dma_start3A_91 = tpu.memref_slice %arg7[%mul3A_87, %dma_start3A_90] : memref<327680x128xf32, #tpu.memory_space<hbm>> -> memref<128x128xf32, #tpu.memory_space<hbm>>
        tpu.enqueue_dma source(%dma_start3A_91 : memref<128x128xf32, #tpu.memory_space<hbm>>) target(%arg15 : memref<128x128xf32, #tpu.memory_space<vmem>>) target_semaphore(%arg11 : memref<!tpu.dma_semaphore, #tpu.memory_space<semaphore_mem>>)
      } else {
      }
    }
    %scan3A_52 = arith.constant 40 : i32
    %barrier3A_53 = arith.constant 0 : index
    tpu.barrier barrier_id(%barrier3A_53)
    "tpu.region"() ({
      %run_scoped3A = tpu.sem_alloc : memref<!tpu.dma_semaphore, #tpu.memory_space<semaphore_mem>>
      %dma_start3A_54 = arith.constant 0 : i32
      %dma_start3A_55 = tpu.memref_slice %arg6[%arg0, %mul3A_2, %dma_start3A_54] : memref<2x10240x128xf32, #tpu.memory_space<hbm>> -> memref<1x640x128xf32, #tpu.memory_space<hbm>>
      %dma_start3A_56 = tpu.memref_squeeze %dma_start3A_55 : memref<1x640x128xf32, #tpu.memory_space<hbm>> -> memref<640x128xf32, #tpu.memory_space<hbm>>
      %dma_start3A_57 = arith.constant 0 : i32
      %dma_start3A_58 = tpu.memref_slice %arg9[%mul3A_2, %dma_start3A_57] : memref<10240x128xf32, #tpu.memory_space<vmem_shared>> -> memref<640x128xf32, #tpu.memory_space<vmem_shared>>
      tpu.enqueue_dma source(%dma_start3A_58 : memref<640x128xf32, #tpu.memory_space<vmem_shared>>) target(%dma_start3A_56 : memref<640x128xf32, #tpu.memory_space<hbm>>) target_semaphore(%run_scoped3A : memref<!tpu.dma_semaphore, #tpu.memory_space<semaphore_mem>>)
      %dma_wait3A = arith.constant 0 : i32
      %dma_wait3A_59 = tpu.memref_slice %arg6[%arg0, %mul3A_2, %dma_wait3A] : memref<2x10240x128xf32, #tpu.memory_space<hbm>> -> memref<1x640x128xf32, #tpu.memory_space<hbm>>
      %dma_wait3A_60 = tpu.memref_squeeze %dma_wait3A_59 : memref<1x640x128xf32, #tpu.memory_space<hbm>> -> memref<640x128xf32, #tpu.memory_space<hbm>>
      %dma_wait3A_61 = arith.constant 0 : i32
      %dma_wait3A_62 = tpu.memref_slice %arg9[%mul3A_2, %dma_wait3A_61] : memref<10240x128xf32, #tpu.memory_space<vmem_shared>> -> memref<640x128xf32, #tpu.memory_space<vmem_shared>>
      tpu.wait_dma2 semaphore(%run_scoped3A : memref<!tpu.dma_semaphore, #tpu.memory_space<semaphore_mem>>) src(%dma_wait3A_62 : memref<640x128xf32, #tpu.memory_space<vmem_shared>>) dst(%dma_wait3A_60 : memref<640x128xf32, #tpu.memory_space<hbm>>)
      tpu.yield
    }) : () -> ()
    return
  }
}

module attributes {stable_mosaic.version = 14 : i64} {
  func.func @_mlp_body(%arg0: i32, %arg1: memref<1280x128xf32, #tpu.memory_space<vmem>>, %arg2: memref<2x1280x128xf32, #tpu.memory_space<vmem>>, %arg3: memref<128x128xf32, #tpu.memory_space<vmem>>, %arg4: memref<1x128xf32, #tpu.memory_space<vmem>>, %arg5: memref<128x128xf32, #tpu.memory_space<vmem>>, %arg6: memref<1x128xf32, #tpu.memory_space<vmem>>, %arg7: memref<1280x128xf32, #tpu.memory_space<vmem>>) attributes {dimension_semantics = [#tpu.dimension_semantics<arbitrary>], iteration_bounds = array<i64: 8>, scalar_prefetch = 0 : i64, scratch_operands = 0 : i64, tpu.core_type = #tpu.core_type<tc>, window_params = [{transform_indices = @transform_0, window_bounds = array<i64: 1280, 128>}, {transform_indices = @transform_1, window_bounds = array<i64: 2, 1280, 128>}, {pipeline_mode = #tpu.pipeline_mode<synchronous>, transform_indices = @transform_2, window_bounds = array<i64: 128, 128>}, {pipeline_mode = #tpu.pipeline_mode<synchronous>, transform_indices = @transform_3, window_bounds = array<i64: 1, 128>}, {pipeline_mode = #tpu.pipeline_mode<synchronous>, transform_indices = @transform_4, window_bounds = array<i64: 128, 128>}, {pipeline_mode = #tpu.pipeline_mode<synchronous>, transform_indices = @transform_5, window_bounds = array<i64: 1, 128>}, {transform_indices = @transform_6, window_bounds = array<i64: 1280, 128>}]} {
    %get3A = arith.constant 0 : index
    %get3A_0 = arith.constant 0 : index
    %get3A_1 = vector.load %arg1[%get3A, %get3A_0] : memref<1280x128xf32, #tpu.memory_space<vmem>>, vector<1280x128xf32>
    %get3A_2 = arith.constant 0 : index
    %get3A_3 = arith.constant 0 : index
    %get3A_4 = arith.constant 0 : index
    %get3A_5 = vector.load %arg2[%get3A_2, %get3A_3, %get3A_4] : memref<2x1280x128xf32, #tpu.memory_space<vmem>>, vector<1x1280x128xf32>
    %get3A_6 = vector.shape_cast %get3A_5 : vector<1x1280x128xf32> to vector<1280x128xf32>
    %add3A = arith.addf %get3A_1, %get3A_6 : vector<1280x128xf32>
    %get3A_7 = arith.constant 1 : index
    %get3A_8 = arith.constant 0 : index
    %get3A_9 = arith.constant 0 : index
    %get3A_10 = vector.load %arg2[%get3A_7, %get3A_8, %get3A_9] : memref<2x1280x128xf32, #tpu.memory_space<vmem>>, vector<1x1280x128xf32>
    %get3A_11 = vector.shape_cast %get3A_10 : vector<1x1280x128xf32> to vector<1280x128xf32>
    %add3A_12 = arith.addf %add3A, %get3A_11 : vector<1280x128xf32>
    %get3A_13 = arith.constant 0 : index
    %get3A_14 = arith.constant 0 : index
    %get3A_15 = vector.load %arg3[%get3A_13, %get3A_14] : memref<128x128xf32, #tpu.memory_space<vmem>>, vector<128x128xf32>
    %dot_general3A = arith.constant dense<0.000000e+00> : vector<1280x128xf32>
    %dot_general3A_16 = tpu.matmul %add3A_12, %get3A_15, %dot_general3A {dimension_numbers = #tpu.dot_dimension_numbers<[1], [0], [0], [1], [0, 0, 1, 1], [], []>, transpose_lhs_hint = false} : vector<1280x128xf32>, vector<128x128xf32>, vector<1280x128xf32> -> vector<1280x128xf32>
    %get3A_17 = arith.constant 0 : index
    %get3A_18 = arith.constant 0 : index
    %get3A_19 = vector.load %arg4[%get3A_17, %get3A_18] : memref<1x128xf32, #tpu.memory_space<vmem>>, vector<1x128xf32>
    %add3A_20 = vector.broadcast %get3A_19 : vector<1x128xf32> to vector<1280x128xf32>
    %add3A_21 = arith.addf %dot_general3A_16, %add3A_20 : vector<1280x128xf32>
    %max3A = arith.constant 0.000000e+00 : f32
    %max3A_22 = vector.broadcast %max3A : f32 to vector<1280x128xf32>
    %max3A_23 = arith.maximumf %add3A_21, %max3A_22 : vector<1280x128xf32>
    %get3A_24 = arith.constant 0 : index
    %get3A_25 = arith.constant 0 : index
    %get3A_26 = vector.load %arg5[%get3A_24, %get3A_25] : memref<128x128xf32, #tpu.memory_space<vmem>>, vector<128x128xf32>
    %dot_general3A_27 = arith.constant dense<0.000000e+00> : vector<1280x128xf32>
    %dot_general3A_28 = tpu.matmul %max3A_23, %get3A_26, %dot_general3A_27 {dimension_numbers = #tpu.dot_dimension_numbers<[1], [0], [0], [1], [0, 0, 1, 1], [], []>, transpose_lhs_hint = false} : vector<1280x128xf32>, vector<128x128xf32>, vector<1280x128xf32> -> vector<1280x128xf32>
    %get3A_29 = arith.constant 0 : index
    %get3A_30 = arith.constant 0 : index
    %get3A_31 = vector.load %arg6[%get3A_29, %get3A_30] : memref<1x128xf32, #tpu.memory_space<vmem>>, vector<1x128xf32>
    %add3A_32 = vector.broadcast %get3A_31 : vector<1x128xf32> to vector<1280x128xf32>
    %add3A_33 = arith.addf %dot_general3A_28, %add3A_32 : vector<1280x128xf32>
    %swap3A = arith.constant 0 : index
    %swap3A_34 = arith.constant 0 : index
    %swap3A_35 = vector.load %arg7[%swap3A, %swap3A_34] : memref<1280x128xf32, #tpu.memory_space<vmem>>, vector<1280x128xf32>
    tpu.vector_store %arg7[%swap3A, %swap3A_34], %add3A_33 {strides = array<i32>} : memref<1280x128xf32, #tpu.memory_space<vmem>>, vector<1280x128xf32>,
    return
  }
  func.func @transform_0(%arg0: i32) -> (i32, i32) {
    %c0_i32 = arith.constant 0 : i32
    %c0_i32_0 = arith.constant 0 : i32
    return %arg0, %c0_i32 : i32, i32
  }
  func.func @transform_1(%arg0: i32) -> (i32, i32, i32) {
    %c0_i32 = arith.constant 0 : i32
    %c0_i32_0 = arith.constant 0 : i32
    %c0_i32_1 = arith.constant 0 : i32
    return %c0_i32, %arg0, %c0_i32_0 : i32, i32, i32
  }
  func.func @transform_2(%arg0: i32) -> (i32, i32) {
    %c0_i32 = arith.constant 0 : i32
    %c0_i32_0 = arith.constant 0 : i32
    %c0_i32_1 = arith.constant 0 : i32
    return %c0_i32, %c0_i32_0 : i32, i32
  }
  func.func @transform_3(%arg0: i32) -> (i32, i32) {
    %c0_i32 = arith.constant 0 : i32
    %c0_i32_0 = arith.constant 0 : i32
    %c0_i32_1 = arith.constant 0 : i32
    return %c0_i32, %c0_i32_0 : i32, i32
  }
  func.func @transform_4(%arg0: i32) -> (i32, i32) {
    %c0_i32 = arith.constant 0 : i32
    %c0_i32_0 = arith.constant 0 : i32
    %c0_i32_1 = arith.constant 0 : i32
    return %c0_i32, %c0_i32_0 : i32, i32
  }
  func.func @transform_5(%arg0: i32) -> (i32, i32) {
    %c0_i32 = arith.constant 0 : i32
    %c0_i32_0 = arith.constant 0 : i32
    %c0_i32_1 = arith.constant 0 : i32
    return %c0_i32, %c0_i32_0 : i32, i32
  }
  func.func @transform_6(%arg0: i32) -> (i32, i32) {
    %c0_i32 = arith.constant 0 : i32
    %c0_i32_0 = arith.constant 0 : i32
    return %arg0, %c0_i32 : i32, i32
  }
}

</mosaic_0001>

<sc_bundles>
// kernel: kernel.11.cloned.1.call-start
scs
__scs_entry_jumppad:
0x0: {  	(pc) =	sbr.rel $0x88, $3  }
0x1: {  	(tag) =	ssettag $0x0;
	lr =	simm.s32 $0x1  }
0x2: {  	[smem:$0x3F93] =	sst lr;
	_ =	strace $0xD0000000  }
0x3: {  	_ = 	snop  }
0x4: {  	_ = 	snop  }
0x5: {  	_ = 	snop  }
0x6: {  	_ = 	snop  }
0x7: {  	_ = 	snop  }
__scs_overlays_trampoline_lowered:
0x8: {  	[smem:$0x3FA2] =	sst s0  }
0x9: {  	[smem:$0x3FA3] =	sst s1  }
0xa: {  	[smem:$0x3FA4] =	sst s2  }
0xb: {  	[smem:$0x3FA5] =	sst s3  }
0xc: {  	[smem:$0x3FA6] =	sst s4  }
0xd: {  	[smem:$0x3FA7] =	sst s5  }
0xe: {  	[smem:$0x3FA8] =	sst s6  }
0xf: {  	[smem:$0x3FA9] =	sst s7  }
0x10: {  	[smem:$0x3FAA] =	sst s8  }
0x11: {  	[smem:$0x3FAB] =	sst s9;
	s0 =	simm.s32 @!p0 $0x0  }
0x12: {  	s1 =	sld [smem:$0x3F91];
	s0 =	simm.s32 @p0 $0x1  }
0x13: {  	[smem:$0x3FAC] =	sst s0;
	s0 =	simm.s32 @!p1 $0x0  }
0x14: {  	s2 =	sld [smem:$0x3F90];
	s0 =	simm.s32 @p1 $0x1  }
0x15: {  	[smem:$0x3FAD] =	sst s0;
	s0 =	simm.s32 @!p2 $0x0  }
0x16: {  	s3 =	sld [smem:$0x3FDB];
	s0 =	simm.s32 @p2 $0x1  }
0x17: {  	s4 =	simm.s32 $0x1BF5;
	[smem:$0x3FAF] =	sst s0  }
0x18: {  	s0 =	sld [smem:$0x3F92];
	_ =	swait.ge [sflag:s4], $0x0  }
0x19: {  	s7 =	sld [smem:$0x3F93]  }
0x1a: {  	s8 =	sadd.s32 $0xFFFFE003, lr  }
0x1b: {  	s9 =	sadd.s32 $0xFFFFFEF7, lr;
	s5 =	simm.s32 $0xFFFFFFFF;
	p2 =	slt.u32 s8, $0xFFFFF086  }
0x1c: {  	p1 =	slt.u32 s9, $0xF7A;
	s5 =	simm.s32 @!p2 $0x0  }
0x1d: {  	s5 =	simm.s32 @p1 $0x1;
	p0 =	seq.s32 s7, s2  }
0x1e: {  	s7 =	smul.u32 @!p0 $0xF7A, s2;
	p2 =	seq.s32 @!p0 s5, $0x0  }
0x1f: {  	s9 =	smul.u32 $0xF7A, s1;
	s8 =	simm.s32 @!p0 $0x1BF5;
	p2 =	por !p2, p0  }
0x20: {  	[sflag:s8] =	ssyncset.s32 @!p0 $0xFFFFF086;
	s6 =	sadd.s32 @!p0 s3, s7;
	s7 =	simm.s32 @!p0 $0x108  }
0x21: {  	s3 =	sadd.s32 s3, s9;
	s6 =	sadd.s32 @!p0 $0x88, s6;
	s7 =	simm.s32 @p2 $0x1082  }
0x22: {  	[simem:s7], [sflag:s8] =	dma.local @!p0 [hbm:s6], $0xF7A  }
0x23: {  	s9 =	sor.u32 $0xD0000000, s2;
	s6 =	simm.s32 $0x108;
	_ =	swait.ge @!p0 [sflag:s8], $0x0  }
0x24: {  	s3 =	sadd.s32 $0x88, s3;
	s6 =	simm.s32 @!p1 $0x1082;
	[sflag:s4] =	ssyncset.s32 $0xFFFFF086  }
0x25: {  	[simem:s6], [sflag:s4] =	dma.local [hbm:s3], $0xF7A  }
0x26: {  	[smem:$0x3F93] =	sst s1;
	(tag) =	ssettag s2;
	_ =	strace s9  }
0x27: {  	s1 =	sld [smem:$0x3FA3]  }
0x28: {  	s2 =	sld [smem:$0x3FA4]  }
0x29: {  	s4 =	sld [smem:$0x3FA6]  }
0x2a: {  	p0 =	seq.s32 s5, $0x0;
	s5 =	sld [smem:$0x3FA7]  }
0x2b: {  	s6 =	sld [smem:$0x3FA8]  }
0x2c: {  	s7 =	sld [smem:$0x3FA9]  }
0x2d: {  	s3 =	simm.s32 $0x108;
	s8 =	sld [smem:$0x3FAA]  }
0x2e: {  	s3 =	simm.s32 @!p0 $0x1082;
	s9 =	sld [smem:$0x3FAB]  }
0x2f: {  	lr =	sadd.s32 s0, s3;
	s0 =	sld [smem:$0x3FA2]  }
0x30: {  	s3 =	sld [smem:$0x3FA5]  }
0x31: {  	[smem:$0x3FAE] =	sst s10  }
0x32: {  	s10 =	sld [smem:$0x3FAC];
	_ =	sdelay $0x3  }
0x33: {  	p0 =	seq.s32 s10, $0x1;
	s10 =	sld [smem:$0x3FAE];
	_ =	sdelay $0x3  }
0x34: {  	[smem:$0x3FAE] =	sst s10  }
0x35: {  	s10 =	sld [smem:$0x3FAD];
	_ =	sdelay $0x3  }
0x36: {  	p1 =	seq.s32 s10, $0x1;
	s10 =	sld [smem:$0x3FAE];
	_ =	sdelay $0x3  }
0x37: {  	[smem:$0x3FAE] =	sst s10  }
0x38: {  	s10 =	sld [smem:$0x3FAF]  }
0x39: {  	_ = 	snop;
	(pc) =	sbr.ind lr, $3  }
0x3a: {  	_ = 	snop  }
0x3b: {  	_ = 	snop  }
0x3c: {  	p2 =	seq.s32 s10, $0x1;
	s10 =	sld [smem:$0x3FAE]  }
0x3d: {  	_ =	shalt  }
0x3e: {  	_ =	shalt  }
0x3f: {  	_ =	shalt  }
0x40: {  	_ =	shalt  }
0x41: {  	_ =	shalt  }
0x42: {  	_ =	shalt  }
0x43: {  	_ =	shalt  }
0x44: {  	_ =	shalt  }
0x45: {  	_ =	shalt  }
0x46: {  	_ =	shalt  }
0x47: {  	_ =	shalt  }
0x48: {  	_ =	shalt  }
0x49: {  	_ =	shalt  }
0x4a: {  	_ =	shalt  }
0x4b: {  	_ =	shalt  }
0x4c: {  	_ =	shalt  }
0x4d: {  	_ =	shalt  }
0x4e: {  	_ =	shalt  }
0x4f: {  	_ =	shalt  }
0x50: {  	_ =	shalt  }
0x51: {  	_ =	shalt  }
0x52: {  	_ =	shalt  }
0x53: {  	_ =	shalt  }
0x54: {  	_ =	shalt  }
0x55: {  	_ =	shalt  }
0x56: {  	_ =	shalt  }
0x57: {  	_ =	shalt  }
0x58: {  	_ =	shalt  }
0x59: {  	_ =	shalt  }
0x5a: {  	_ =	shalt  }
0x5b: {  	_ =	shalt  }
0x5c: {  	_ =	shalt  }
0x5d: {  	_ =	shalt  }
0x5e: {  	_ =	shalt  }
0x5f: {  	_ =	shalt  }
0x60: {  	_ =	shalt  }
0x61: {  	_ =	shalt  }
0x62: {  	_ =	shalt  }
0x63: {  	_ =	shalt  }
0x64: {  	_ =	shalt  }
0x65: {  	_ =	shalt  }
0x66: {  	_ =	shalt  }
0x67: {  	_ =	shalt  }
0x68: {  	_ =	shalt  }
0x69: {  	_ =	shalt  }
0x6a: {  	_ =	shalt  }
0x6b: {  	_ =	shalt  }
0x6c: {  	_ =	shalt  }
0x6d: {  	_ =	shalt  }
0x6e: {  	_ =	shalt  }
0x6f: {  	_ =	shalt  }
0x70: {  	_ =	shalt  }
0x71: {  	_ =	shalt  }
0x72: {  	_ =	shalt  }
0x73: {  	_ =	shalt  }
0x74: {  	_ =	shalt  }
0x75: {  	_ =	shalt  }
0x76: {  	_ =	shalt  }
0x77: {  	_ =	shalt  }
0x78: {  	_ =	shalt  }
0x79: {  	_ =	shalt  }
0x7a: {  	_ =	shalt  }
0x7b: {  	_ =	shalt  }
0x7c: {  	_ =	shalt  }
0x7d: {  	_ =	shalt  }
0x7e: {  	_ =	shalt  }
0x7f: {  	_ =	shalt  }
0x80: {  	_ =	shalt  }
0x81: {  	_ =	shalt  }
0x82: {  	_ =	shalt  }
0x83: {  	_ =	shalt  }
0x84: {  	_ =	shalt  }
0x85: {  	_ =	shalt  }
0x86: {  	_ =	shalt  }
0x87: {  	_ =	shalt  }
.Lfunc_end0:
.L_simem_size_0:
called_computation.1_lowered:
.L_overlay_start_0:
0x88: {  	s2 =	sld [smem:$0x3FD9]  }
0x89: {  	s3 =	sld [smem:$0x3FFE];
	_ =	sdelay $0x1  }
0x8a: {  	s1 =	srdreg.scid  }
0x8b: {  	s0 =	sand.u32 $0x1, s1  }
0x8c: {  	s17 =	sshll.u32 s0, $0xA;
	s2 =	sadd.s32 s3, s2  }
0x8d: {  	s2 =	sadd.s32 s2, s17  }
0x8e: {  	[smem:$0x3FBA] =	sst s2  }
0x8f: {  	_ = 	snop  }
0x90: {  	s2 =	sld [smem:$0x3FD0];
	(tm) =	ssettm $0x1  }
0x91: {  	s18 =	sld [smem:$0x3FFB];
	_ =	sdelay $0x3  }
0x92: {  	_ =	strace s18  }
0x93: {  	s3 =	sld [smem:$0x3FFC];
	_ =	sdelay $0x3  }
0x94: {  	_ =	strace s3  }
0x95: {  	s3 =	sld [smem:$0x3FFD];
	_ =	sdelay $0x3  }
0x96: {  	_ =	strace s3  }
0x97: {  	_ =	strace $0x8FFFFFFF  }
0x98: {  	s19 =	sld [smem:$0x3FDB];
	_ =	sdelay $0x1  }
0x99: {  	s4 =	simm.s32 $_scs_section_size  }
0x9a: {  	s5 =	simm.s32 $_size__tile_overlayer_lowered;
	s6 =	simm.s32 $_tile_overlayer_lowered  }
0x9b: {  	s22 =	simm.s32 $0x1BFF;
	s21 =	sshll.u32 s6, $0x1;
	s3 =	sadd.s32 s4, s19  }
0x9c: {  	s7 =	simm.s32 $0x0;
	s20 =	sshll.u32 s5, $0x1;
	s5 =	sadd.s32 s21, s3  }
0x9d: {  	[timem:s7], [sflag:s22] =	dma.local [hbm:s5], s20  }
0x9e: {  	_ =	swait.ge [sflag:s22], s20  }
0x9f: {  	s4 =	ssub.s32 $0x0, s20;
	[sflag:s22] =	ssyncset.done $0x0  }
0xa0: {  	[sflag:s22] =	ssyncadd.s32 s4;
	_ =	sdelay $0x1  }
0xa1: {  	s23 =	simm.s32 $0x1B8B  }
0xa2: {  	_ =	swait.ge [sflag:s23], $0x1  }
0xa3: {  	[sflag:s23] =	ssyncset.done $0x0  }
0xa4: {  	s25 =	simm.s32 $0x1B8E;
	s24 =	sld [smem:$0x3FFE];
	[sflag:s23] =	ssyncadd.s32 $0xFFFFFFFF  }
0xa5: {  	s26 =	simm.s32 $execute0_lowered;
	[smem:$0x3FD2] =	sst s25  }
0xa6: {  	s5 =	sshll.u32 s26, $0x1;
	_ =	strace $0x80000049;
	[dreg:$0x1] =	wrdreg $0xFFFFFFFF  }
0xa7: {  	s28 =	simm.s32 $_size_execute0_lowered;
	s3 =	sadd.s32 s3, s5;
	[dreg:$0x0] =	wrdreg $0x0  }
0xa8: {  	s5 =	sshll.u32 s28, $0x1;
	[dreg:$0x2] =	wrdreg s3  }
0xa9: {  	[dreg:$0x3] =	wrdreg s5  }
0xaa: {  	[dreg:$0x4] =	wrdreg $0xC0  }
0xab: {  	_ =	task [dreg:s7], $0x5FFFF  }
0xac: {  	[dreg:$0x1] =	wrdreg $0xFFFFFFFF  }
0xad: {  	[dreg:$0x0] =	wrdreg $0x60  }
0xae: {  	[dreg:$0x2] =	wrdreg s24  }
0xaf: {  	[dreg:$0x3] =	wrdreg s2  }
0xb0: {  	[dreg:$0x4] =	wrdreg $0x28000  }
0xb1: {  	[dreg:$0x5] =	wrdreg $0x9  }
0xb2: {  	_ =	task.clear_ibuf [dreg:s7], $0x6FFFF;
	_ =	strace $0x90000049  }
0xb3: {  	s29 =	simm.s32 $0x9;
	_ =	strace $0x8000004B  }
0xb4: {  	_ =	swait.ge [sflag:s29], $0x1  }
0xb5: {  	[sflag:s29] =	ssyncadd.s32 $0xFFFFFFFF  }
0xb6: {  	_ =	strace $0x9000004B  }
0xb7: {  	_ =	sfence  }
0xb8: {  	s30 =	sld [smem:$0x0];
	_ =	sdelay $0x2  }
0xb9: {  	s31 =	sshll.u32 s1, $0xD;
	s1 =	sshrl.u32 s1, $0x2  }
0xba: {  	s3 =	sand.u32 $0x4000, s31;
	s1 =	sadd.s32 s1, s30  }
0xbb: {  	s0 =	sor.u32 s3, s0;
	s1 =	sshll.u32 s1, $0x11  }
0xbc: {  	s0 =	sor.u32 s1, s0  }
0xbd: {  	s0 =	sadd.s32 $0x8F2B, s0  }
0xbe: {  	[sflag:s0] =	ssyncadd.remote.s32 $0x1  }
0xbf: {  	_ =	sfence.sel $0xFFFF  }
0xc0: {  	[dreg:$0x0] =	wrdreg $0xFFFFFFFF;
	(pc) =	sbr.abs _section_cstart, $3  }
0xc1: {  	[dreg:$0x1] =	wrdreg $0xFFFFFFFF  }
0xc2: {  	_ =	task.clear_ibuf [dreg:s7], $0x2FFFF;
	_ =	strace $0x9FFFFFFF  }
0xc3: {  	(tm) =	ssettm $0x7FFFFFFF  }
tec
execute0_lowered:
.L_overlay_start_1:
0x0: {  	(tag) =	ssettag $0x1  }
0x1: {  	s0 =	rddreg [dreg:$0x0]  }
0x2: {  	s1 =	rddreg [dreg:$0x1]  }
0x3: {  	s2 =	rddreg [dreg:$0x2]  }
0x4: {  	s17 =	stileid.u32;
	s3 =	srdreg.scid;
	s19 =	simm.s32 $0x5  }
0x5: {  	s20 =	simm.s32 $0x80;
	s21 =	simm.s32 $0x16800;
	s4 =	smul.u32 $0x14000, s17  }
0x6: {  	s22 =	simm.s32 $0x1A800;
	s30 =	simm.s32 $0x0;
	s13 =	smul.u32 $0x50000, s17  }
0x7: {  	s12 =	sand.u32 $0x1, s3;
	s5 =	sshll.u32 s17, $0x1;
	s28 =	smul.u32 $0xA0, s17  }
0x8: {  	s3 =	simm.s32 $0x0;
	s14 =	sadd.s32 $0x38A00, s0;
	s23 =	smul.u32 $0x140000, s12  }
0x9: {  	s25 =	sshll.u32 s17, $0x6;
	s7 =	sor.u32 s12, s5;
	s29 =	smul.u32 $0x50, s12  }
0xa: {  	[smem:$0x7FF] =	sst s3;
	s24 =	ssub.s32 $0x2, s12;
	s31 =	smul.u32 $0x28000, s12  }
0xb: {  	s6 =	sshrl.u32 s4, $0x3;
	s8 =	smul.u32 $0x500, s7;
	_ =	strace $0x8000004A  }
0xc: {  	s10 =	sshrl.u32 s24, $0x1;
	s15 =	sshrl.u32 s13, $0x2;
	s26 =	smul.u32 $0x28000, s7  }
0xd: {  	s6 =	sadd.s32 s6, s0;
	s4 =	sadd.s32 s4, s23;
	s16 =	ssub.s32 s24, s10  }
0xe: {  	s18 =	sadd.s32 s15, s2;
	s23 =	simm.s32 $0x1;
	s24 =	simm.s32 $0x3  }
0xf: {  	s9 =	sadd.s32 s8, s0;
	s5 =	sshrl.u32 s4, $0x3;
	s4 =	sadd.s32 $0x36200, s0  }
0x10: {  	s8 =	sadd.s32 s1, s8;
	s12 =	smax.u32 s16, $0x1;
	s1 =	sadd.s32 s29, s28  }
0x11: {  	s18 =	sshrl.u32 s18, $0x3;
	s11 =	sadd.s32 s5, s0;
	s5 =	sadd.s32 $0x4200, s6  }
0x12: {  	s6 =	sor.u32 $0x1C05, s25;
	s7 =	sadd.s32 $0x2C200, s9;
	s9 =	sadd.s32 s14, s26  }
0x13: {  	s0 =	sadd.s32 $0x39200, s0;
	s14 =	sadd.s32 s13, s14;
	s1 =	sshll.u32 s1, $0xB  }
0x14: {  	s25 =	simm.s32 $0x2;
	s10 =	sadd.s32 s26, s0;
	s11 =	sadd.s32 $0x538A00, s11  }
0x15: {  	s13 =	sadd.s32 $0x27000, s9;
	s14 =	sadd.s32 s31, s14;
	s15 =	sadd.s32 $0x27800, s9  }
0x16: {  	s16 =	sadd.s32 s1, s0;
	s26 =	simm.s32 $0x4;
	s17 =	sadd.s32 $0x1800, s14  }
.LBB2_1:
0x17: {  	[spmem:s18], [sflag:s6] =	dma.local [hbm:s5], $0x2800  }
0x18: {  	_ =	swait.ge [sflag:s19], $0x2800  }
0x19: {  	[sflag:s19] =	ssyncset.done $0x0  }
0x1a: {  	[sflag:s19] =	ssyncadd.s32 $0xFFFFD800  }
0x1b: {  	[bflag:$0x0] =	sbarrier.arrive $0xFFFF  }
0x1c: {  	[tilespmem:s3], [sflag:$0x5] =	stream.linear.gather [hbm4b:s7+s3], $0x2800, $0x38;
	[tilespmem:$0x1E800] =	vst v63  }
0x1d: {  	_ =	swait.ge [sflag:s19], $0x2800  }
0x1e: {  	[sflag:s19] =	ssyncset.done $0x0  }
0x1f: {  	[sflag:s19] =	ssyncadd.s32 $0xFFFFD800  }
0x20: {  	[tilespmem:s21], [sflag:$0x1] =	stream.indirect.gather [spmem:s2], $0x80, s3, s20, $0xb8;
	[tilespmem:$0x1E800] =	vst v63  }
0x21: {  	_ = 	snop  }
0x22: {  	[tilespmem:s22], [sflag:$0x2] =	stream.indirect.gather [spmem:s2], $0x80, s20, s20, $0xb8;
	[tilespmem:$0x1E800] =	vst v63  }
0x23: {  	_ =	swait.ge [sflag:s23], $0x4000  }
0x24: {  	[sflag:s23] =	ssyncset.done $0x0  }
0x25: {  	s0 =	sadd.s32 $0x0, s14;
	[sflag:s23] =	ssyncadd.s32 $0xFFFFC000  }
0x26: {  	[hbm4b:s0+s3] =	stream.linear.scatter [tilespmem:s21], [sflag:$0x3], $0x4000, $0x38;
	[tilespmem:$0x1E800] =	vst v63  }
0x27: {  	_ =	swait.ge [sflag:s24], $0x4000  }
0x28: {  	[sflag:s24] =	ssyncset.done $0x0  }
0x29: {  	s28 =	simm.s32 $0x100;
	[sflag:s24] =	ssyncadd.s32 $0xFFFFC000  }
0x2a: {  	[tilespmem:s21], [sflag:$0x1] =	stream.indirect.gather [spmem:s2], $0x80, s28, s20, $0xb8;
	[tilespmem:$0x1E800] =	vst v63  }
0x2b: {  	_ =	swait.ge [sflag:s25], $0x4000  }
0x2c: {  	[sflag:s25] =	ssyncset.done $0x0  }
0x2d: {  	s29 =	sadd.s32 $0x0, s16;
	[sflag:s25] =	ssyncadd.s32 $0xFFFFC000  }
0x2e: {  	[hbm4b:s29+s3] =	stream.linear.scatter [tilespmem:s22], [sflag:$0x4], $0x4000, $0x38;
	[tilespmem:$0x1E800] =	vst v63  }
0x2f: {  	_ =	swait.ge [sflag:s26], $0x4000  }
0x30: {  	s31 =	simm.s32 $0x180;
	[sflag:s26] =	ssyncset.done $0x0  }
0x31: {  	s1 =	simm.s32 $0x280;
	s0 =	simm.s32 $0x1000;
	[sflag:s26] =	ssyncadd.s32 $0xFFFFC000  }
.LBB2_2:
0x32: {  	[tilespmem:s22], [sflag:$0x2] =	stream.indirect.gather [spmem:s2], $0x80, s31, s20, $0xb8;
	[tilespmem:$0x1E800] =	vst v63  }
0x33: {  	s28 =	smov.u32 s0;
	s31 =	smov.u32 s1  }
0x34: {  	p0 =	sne.s32 s0, $0x26000;
	s0 =	sadd.s32 $0x1000, s0;
	_ =	swait.ge [sflag:s23], $0x4000  }
0x35: {  	[sflag:s23] =	ssyncset.done $0x0  }
0x36: {  	s29 =	sadd.s32 s28, s14;
	[sflag:s23] =	ssyncadd.s32 $0xFFFFC000  }
0x37: {  	[hbm4b:s29+s3] =	stream.linear.scatter [tilespmem:s21], [sflag:$0x3], $0x4000, $0x38;
	[tilespmem:$0x1E800] =	vst v63  }
0x38: {  	_ =	swait.ge [sflag:s24], $0x4000  }
0x39: {  	[sflag:s24] =	ssyncset.done $0x0  }
0x3a: {  	s29 =	sadd.s32 $0xFFFFFF80, s1;
	[sflag:s24] =	ssyncadd.s32 $0xFFFFC000  }
0x3b: {  	[tilespmem:s21], [sflag:$0x1] =	stream.indirect.gather [spmem:s2], $0x80, s29, s20, $0xb8;
	[tilespmem:$0x1E800] =	vst v63  }
0x3c: {  	_ =	swait.ge [sflag:s25], $0x4000  }
0x3d: {  	[sflag:s25] =	ssyncset.done $0x0  }
.Ltmp0:
0x3e: {  	s28 =	sadd.s32 s28, s16;
	[sflag:s25] =	ssyncadd.s32 $0xFFFFC000;
	(pc) =	sbr.rel @p0 .LBB2_2-.Ltmp0, $4  }
0x3f: {  	[hbm4b:s28+s3] =	stream.linear.scatter [tilespmem:s22], [sflag:$0x4], $0x4000, $0x38;
	[tilespmem:$0x1E800] =	vst v63  }
0x40: {  	_ =	swait.ge [sflag:s26], $0x4000  }
0x41: {  	[sflag:s26] =	ssyncset.done $0x0  }
0x42: {  	s1 =	sadd.s32 $0x100, s1;
	[sflag:s26] =	ssyncadd.s32 $0xFFFFC000  }
0x43: {  	[tilespmem:s22], [sflag:$0x2] =	stream.indirect.gather [spmem:s2], $0x80, s31, s20, $0xb8;
	[tilespmem:$0x1E800] =	vst v63  }
0x44: {  	_ =	swait.ge [sflag:s23], $0x4000  }
0x45: {  	[sflag:s23] =	ssyncset.done $0x0  }
0x46: {  	s0 =	simm.s32 $0x0;
	[sflag:s23] =	ssyncadd.s32 $0xFFFFC000  }
0x47: {  	[hbm4b:s13+s0] =	stream.linear.scatter [tilespmem:s21], [sflag:$0x3], $0x4000, $0x38;
	[tilespmem:$0x1E800] =	vst v63  }
0x48: {  	_ =	swait.ge [sflag:s24], $0x4000  }
0x49: {  	[sflag:s24] =	ssyncset.done $0x0  }
0x4a: {  	[sflag:s24] =	ssyncadd.s32 $0xFFFFC000  }
0x4b: {  	_ =	swait.ge [sflag:s25], $0x4000  }
0x4c: {  	[sflag:s25] =	ssyncset.done $0x0  }
0x4d: {  	[sflag:s25] =	ssyncadd.s32 $0xFFFFC000  }
0x4e: {  	[hbm4b:s15+s0] =	stream.linear.scatter [tilespmem:s22], [sflag:$0x4], $0x4000, $0x38;
	[tilespmem:$0x1E800] =	vst v63  }
0x4f: {  	_ =	swait.ge [sflag:s26], $0x4000  }
0x50: {  	[sflag:s26] =	ssyncset.done $0x0  }
0x51: {  	[sflag:s26] =	ssyncadd.s32 $0xFFFFC000  }
0x52: {  	[bflag:$0x0] =	sbarrier.arrive $0xFFFF  }
0x53: {  	[spmem:s18], [sflag:s6] =	dma.local [hbm:s4], $0x2800  }
0x54: {  	_ =	swait.ge [sflag:s19], $0x2800  }
0x55: {  	[sflag:s19] =	ssyncset.done $0x0  }
0x56: {  	[sflag:s19] =	ssyncadd.s32 $0xFFFFD800  }
0x57: {  	[bflag:$0x0] =	sbarrier.arrive $0xFFFF  }
0x58: {  	[tilespmem:s0], [sflag:$0x5] =	stream.linear.gather [hbm4b:s8+s0], $0x2800, $0x38;
	[tilespmem:$0x1E800] =	vst v63  }
0x59: {  	_ =	swait.ge [sflag:s19], $0x2800  }
0x5a: {  	[sflag:s19] =	ssyncset.done $0x0  }
0x5b: {  	[sflag:s19] =	ssyncadd.s32 $0xFFFFD800  }
0x5c: {  	[tilespmem:s21], [sflag:$0x1] =	stream.linear.gather [hbm4b:s9+s0], $0x4000, $0x38;
	[tilespmem:$0x1E800] =	vst v63  }
0x5d: {  	_ = 	snop  }
0x5e: {  	[tilespmem:s22], [sflag:$0x2] =	stream.linear.gather [hbm4b:s10+s0], $0x4000, $0x38;
	[tilespmem:$0x1E800] =	vst v63  }
0x5f: {  	_ =	swait.ge [sflag:s23], $0x4000  }
0x60: {  	[sflag:s23] =	ssyncset.done $0x0  }
0x61: {  	s1 =	simm.s32 $0x0;
	[sflag:s23] =	ssyncadd.s32 $0xFFFFC000  }
0x62: {  	[spmem:s2] =	stream.indirect.scatter.add.f32 [tilespmem:s21], [sflag:$0x5], $0x80, s1, s20, $0xb8;
	[tilespmem:$0x1E800] =	vst v63  }
0x63: {  	_ =	swait.ge [sflag:s19], $0x4000  }
0x64: {  	[sflag:s19] =	ssyncset.done $0x0  }
0x65: {  	s28 =	sadd.s32 $0xFFFFF800, s17;
	[sflag:s19] =	ssyncadd.s32 $0xFFFFC000  }
0x66: {  	[tilespmem:s21], [sflag:$0x1] =	stream.linear.gather [hbm4b:s28+s3], $0x4000, $0x38;
	[tilespmem:$0x1E800] =	vst v63  }
0x67: {  	_ =	swait.ge [sflag:s25], $0x4000  }
0x68: {  	[sflag:s25] =	ssyncset.done $0x0  }
0x69: {  	s29 =	simm.s32 $0x80;
	[sflag:s25] =	ssyncadd.s32 $0xFFFFC000  }
0x6a: {  	[spmem:s2] =	stream.indirect.scatter.add.f32 [tilespmem:s22], [sflag:$0x5], $0x80, s29, s20, $0xb8;
	[tilespmem:$0x1E800] =	vst v63  }
0x6b: {  	_ =	swait.ge [sflag:s19], $0x4000  }
0x6c: {  	s31 =	simm.s32 $0x400;
	[sflag:s19] =	ssyncset.done $0x0  }
0x6d: {  	s0 =	sadd.s32 $0x1000, s17;
	s1 =	smov.u32 s17;
	[sflag:s19] =	ssyncadd.s32 $0xFFFFC000  }
.LBB2_4:
0x6e: {  	[tilespmem:s22], [sflag:$0x2] =	stream.linear.gather [hbm4b:s1+s3], $0x4000, $0x38;
	[tilespmem:$0x1E800] =	vst v63  }
0x6f: {  	s28 =	smov.u32 s31;
	s1 =	smov.u32 s0  }
0x70: {  	p0 =	sne.s32 s31, $0x9800;
	s31 =	sadd.s32 $0x400, s31;
	_ =	swait.ge [sflag:s23], $0x4000  }
0x71: {  	[sflag:s23] =	ssyncset.done $0x0  }
0x72: {  	s28 =	sshra.s32 s28, $0x2;
	[sflag:s23] =	ssyncadd.s32 $0xFFFFC000  }
0x73: {  	[spmem:s2] =	stream.indirect.scatter.add.f32 [tilespmem:s21], [sflag:$0x5], $0x80, s28, s20, $0xb8;
	[tilespmem:$0x1E800] =	vst v63  }
0x74: {  	_ =	swait.ge [sflag:s19], $0x4000  }
0x75: {  	[sflag:s19] =	ssyncset.done $0x0  }
0x76: {  	s29 =	sadd.s32 $0xFFFFF800, s0;
	[sflag:s19] =	ssyncadd.s32 $0xFFFFC000  }
0x77: {  	[tilespmem:s21], [sflag:$0x1] =	stream.linear.gather [hbm4b:s29+s3], $0x4000, $0x38;
	[tilespmem:$0x1E800] =	vst v63  }
0x78: {  	_ =	swait.ge [sflag:s25], $0x4000  }
0x79: {  	[sflag:s25] =	ssyncset.done $0x0  }
.Ltmp1:
0x7a: {  	s28 =	sadd.s32 $0x80, s28;
	[sflag:s25] =	ssyncadd.s32 $0xFFFFC000;
	(pc) =	sbr.rel @p0 .LBB2_4-.Ltmp1, $4  }
0x7b: {  	[spmem:s2] =	stream.indirect.scatter.add.f32 [tilespmem:s22], [sflag:$0x5], $0x80, s28, s20, $0xb8;
	[tilespmem:$0x1E800] =	vst v63  }
0x7c: {  	_ =	swait.ge [sflag:s19], $0x4000  }
0x7d: {  	[sflag:s19] =	ssyncset.done $0x0  }
0x7e: {  	s0 =	sadd.s32 $0x1000, s0;
	[sflag:s19] =	ssyncadd.s32 $0xFFFFC000  }
0x7f: {  	[tilespmem:s22], [sflag:$0x2] =	stream.linear.gather [hbm4b:s1+s3], $0x4000, $0x38;
	[tilespmem:$0x1E800] =	vst v63  }
0x80: {  	_ =	swait.ge [sflag:s23], $0x4000  }
0x81: {  	[sflag:s23] =	ssyncset.done $0x0  }
0x82: {  	s0 =	simm.s32 $0x2700;
	[sflag:s23] =	ssyncadd.s32 $0xFFFFC000  }
0x83: {  	[spmem:s2] =	stream.indirect.scatter.add.f32 [tilespmem:s21], [sflag:$0x5], $0x80, s0, s20, $0xb8;
	[tilespmem:$0x1E800] =	vst v63  }
0x84: {  	_ =	swait.ge [sflag:s19], $0x4000  }
0x85: {  	[sflag:s19] =	ssyncset.done $0x0  }
0x86: {  	[sflag:s19] =	ssyncadd.s32 $0xFFFFC000  }
0x87: {  	_ =	swait.ge [sflag:s25], $0x4000  }
0x88: {  	[sflag:s25] =	ssyncset.done $0x0  }
0x89: {  	s31 =	simm.s32 $0x2780;
	[sflag:s25] =	ssyncadd.s32 $0xFFFFC000  }
0x8a: {  	[spmem:s2] =	stream.indirect.scatter.add.f32 [tilespmem:s22], [sflag:$0x5], $0x80, s31, s20, $0xb8;
	[tilespmem:$0x1E800] =	vst v63  }
0x8b: {  	_ =	swait.ge [sflag:s19], $0x4000  }
0x8c: {  	s30 =	sadd.s32 $0x1, s30;
	[sflag:s19] =	ssyncset.done $0x0  }
0x8d: {  	p0 =	sne.s32 s30, s12;
	[sflag:s19] =	ssyncadd.s32 $0xFFFFC000  }
.Ltmp2:
0x8e: {  	[bflag:$0x0] =	sbarrier.arrive $0xFFFF;
	(pc) =	sbr.rel @p0 .LBB2_1-.Ltmp2, $4  }
0x8f: {  	[hbm:s11], [sflag:s6] =	dma.local [spmem:s18], $0x2800  }
0x90: {  	_ =	swait.ge [sflag:s19], $0x2800  }
0x91: {  	[sflag:s19] =	ssyncset.done $0x0  }
0x92: {  	[sflag:s19] =	ssyncadd.s32 $0xFFFFD800  }
0x93: {  	_ =	sfence.sel $0x180000  }
0x94: {  	[bflag:$0x0] =	sbarrier.arrive $0xFFFF  }
0x95: {  	_ =	strace $0x9000004A  }
0x96: {  	s0 =	stileid.u32;
	[bflag:$0x2] =	sbarrier.arrive $0xFFFF  }
0x97: {  	p0 =	sne.s32 s0, $0x0;
	s0 =	rddreg [dreg:$0x3]  }
0x98: {  	s0 =	sadd.s32 @!p0 $0x100000, s0  }
0x99: {  	[sflag:s0] =	ssyncadd.tile.s32 @!p0 $0x1;
	_ =	shalt  }
.Lfunc_end2:
_tile_overlayer_lowered:
.L_overlay_start_2:
0x9a: {  	(tag) =	ssettag $0x2  }
0x9b: {  	s0 =	rddreg [dreg:$0x0];
	s2 =	stileid.u32  }
0x9c: {  	s1 =	rddreg [dreg:$0x1];
	p0 =	sne.s32 s2, $0x0  }
0x9d: {  	s3 =	rddreg [dreg:$0x2];
	[bflag:$0x3] =	sbarrier.arrive $0xFFFF;
	s2 =	simm.s32 @!p0 $0x1C05  }
0x9e: {  	[timem:s3], [sflag:s2] =	dma.local @!p0 [hbm:s0], s1  }
0x9f: {  	s0 =	simm.s32 @!p0 $0x5  }
0xa0: {  	_ =	swait.ge @!p0 [sflag:s0], s1  }
0xa1: {  	s1 =	ssub.s32 @!p0 $0x0, s1;
	[sflag:s0] =	ssyncset.done @!p0 $0x0  }
0xa2: {  	[sflag:s0] =	ssyncadd.s32 @!p0 s1  }
0xa3: {  	[bflag:$0x3] =	sbarrier.arrive $0xFFFF  }
0xa4: {  	_ =	shalt  }

// kernel: kernel.14.cloned.1.call-start
scs
__scs_entry_jumppad:
0x0: {  	(pc) =	sbr.rel $0x88, $3  }
0x1: {  	(tag) =	ssettag $0x0;
	lr =	simm.s32 $0x1  }
0x2: {  	[smem:$0x3F93] =	sst lr;
	_ =	strace $0xD0000000  }
0x3: {  	_ = 	snop  }
0x4: {  	_ = 	snop  }
0x5: {  	_ = 	snop  }
0x6: {  	_ = 	snop  }
0x7: {  	_ = 	snop  }
__scs_overlays_trampoline_lowered:
0x8: {  	[smem:$0x3FA2] =	sst s0  }
0x9: {  	[smem:$0x3FA3] =	sst s1  }
0xa: {  	[smem:$0x3FA4] =	sst s2  }
0xb: {  	[smem:$0x3FA5] =	sst s3  }
0xc: {  	[smem:$0x3FA6] =	sst s4  }
0xd: {  	[smem:$0x3FA7] =	sst s5  }
0xe: {  	[smem:$0x3FA8] =	sst s6  }
0xf: {  	[smem:$0x3FA9] =	sst s7  }
0x10: {  	[smem:$0x3FAA] =	sst s8  }
0x11: {  	[smem:$0x3FAB] =	sst s9;
	s0 =	simm.s32 @!p0 $0x0  }
0x12: {  	s1 =	sld [smem:$0x3F91];
	s0 =	simm.s32 @p0 $0x1  }
0x13: {  	[smem:$0x3FAC] =	sst s0;
	s0 =	simm.s32 @!p1 $0x0  }
0x14: {  	s2 =	sld [smem:$0x3F90];
	s0 =	simm.s32 @p1 $0x1  }
0x15: {  	[smem:$0x3FAD] =	sst s0;
	s0 =	simm.s32 @!p2 $0x0  }
0x16: {  	s3 =	sld [smem:$0x3FDB];
	s0 =	simm.s32 @p2 $0x1  }
0x17: {  	s4 =	simm.s32 $0x1BF5;
	[smem:$0x3FAF] =	sst s0  }
0x18: {  	s0 =	sld [smem:$0x3F92];
	_ =	swait.ge [sflag:s4], $0x0  }
0x19: {  	s7 =	sld [smem:$0x3F93]  }
0x1a: {  	s8 =	sadd.s32 $0xFFFFE003, lr  }
0x1b: {  	s9 =	sadd.s32 $0xFFFFFEF7, lr;
	s5 =	simm.s32 $0xFFFFFFFF;
	p2 =	slt.u32 s8, $0xFFFFF086  }
0x1c: {  	p1 =	slt.u32 s9, $0xF7A;
	s5 =	simm.s32 @!p2 $0x0  }
0x1d: {  	s5 =	simm.s32 @p1 $0x1;
	p0 =	seq.s32 s7, s2  }
0x1e: {  	s7 =	smul.u32 @!p0 $0xF7A, s2;
	p2 =	seq.s32 @!p0 s5, $0x0  }
0x1f: {  	s9 =	smul.u32 $0xF7A, s1;
	s8 =	simm.s32 @!p0 $0x1BF5;
	p2 =	por !p2, p0  }
0x20: {  	[sflag:s8] =	ssyncset.s32 @!p0 $0xFFFFF086;
	s6 =	sadd.s32 @!p0 s3, s7;
	s7 =	simm.s32 @!p0 $0x108  }
0x21: {  	s3 =	sadd.s32 s3, s9;
	s6 =	sadd.s32 @!p0 $0x88, s6;
	s7 =	simm.s32 @p2 $0x1082  }
0x22: {  	[simem:s7], [sflag:s8] =	dma.local @!p0 [hbm:s6], $0xF7A  }
0x23: {  	s9 =	sor.u32 $0xD0000000, s2;
	s6 =	simm.s32 $0x108;
	_ =	swait.ge @!p0 [sflag:s8], $0x0  }
0x24: {  	s3 =	sadd.s32 $0x88, s3;
	s6 =	simm.s32 @!p1 $0x1082;
	[sflag:s4] =	ssyncset.s32 $0xFFFFF086  }
0x25: {  	[simem:s6], [sflag:s4] =	dma.local [hbm:s3], $0xF7A  }
0x26: {  	[smem:$0x3F93] =	sst s1;
	(tag) =	ssettag s2;
	_ =	strace s9  }
0x27: {  	s1 =	sld [smem:$0x3FA3]  }
0x28: {  	s2 =	sld [smem:$0x3FA4]  }
0x29: {  	s4 =	sld [smem:$0x3FA6]  }
0x2a: {  	p0 =	seq.s32 s5, $0x0;
	s5 =	sld [smem:$0x3FA7]  }
0x2b: {  	s6 =	sld [smem:$0x3FA8]  }
0x2c: {  	s7 =	sld [smem:$0x3FA9]  }
0x2d: {  	s3 =	simm.s32 $0x108;
	s8 =	sld [smem:$0x3FAA]  }
0x2e: {  	s3 =	simm.s32 @!p0 $0x1082;
	s9 =	sld [smem:$0x3FAB]  }
0x2f: {  	lr =	sadd.s32 s0, s3;
	s0 =	sld [smem:$0x3FA2]  }
0x30: {  	s3 =	sld [smem:$0x3FA5]  }
0x31: {  	[smem:$0x3FAE] =	sst s10  }
0x32: {  	s10 =	sld [smem:$0x3FAC];
	_ =	sdelay $0x3  }
0x33: {  	p0 =	seq.s32 s10, $0x1;
	s10 =	sld [smem:$0x3FAE];
	_ =	sdelay $0x3  }
0x34: {  	[smem:$0x3FAE] =	sst s10  }
0x35: {  	s10 =	sld [smem:$0x3FAD];
	_ =	sdelay $0x3  }
0x36: {  	p1 =	seq.s32 s10, $0x1;
	s10 =	sld [smem:$0x3FAE];
	_ =	sdelay $0x3  }
0x37: {  	[smem:$0x3FAE] =	sst s10  }
0x38: {  	s10 =	sld [smem:$0x3FAF]  }
0x39: {  	_ = 	snop;
	(pc) =	sbr.ind lr, $3  }
0x3a: {  	_ = 	snop  }
0x3b: {  	_ = 	snop  }
0x3c: {  	p2 =	seq.s32 s10, $0x1;
	s10 =	sld [smem:$0x3FAE]  }
0x3d: {  	_ =	shalt  }
0x3e: {  	_ =	shalt  }
0x3f: {  	_ =	shalt  }
0x40: {  	_ =	shalt  }
0x41: {  	_ =	shalt  }
0x42: {  	_ =	shalt  }
0x43: {  	_ =	shalt  }
0x44: {  	_ =	shalt  }
0x45: {  	_ =	shalt  }
0x46: {  	_ =	shalt  }
0x47: {  	_ =	shalt  }
0x48: {  	_ =	shalt  }
0x49: {  	_ =	shalt  }
0x4a: {  	_ =	shalt  }
0x4b: {  	_ =	shalt  }
0x4c: {  	_ =	shalt  }
0x4d: {  	_ =	shalt  }
0x4e: {  	_ =	shalt  }
0x4f: {  	_ =	shalt  }
0x50: {  	_ =	shalt  }
0x51: {  	_ =	shalt  }
0x52: {  	_ =	shalt  }
0x53: {  	_ =	shalt  }
0x54: {  	_ =	shalt  }
0x55: {  	_ =	shalt  }
0x56: {  	_ =	shalt  }
0x57: {  	_ =	shalt  }
0x58: {  	_ =	shalt  }
0x59: {  	_ =	shalt  }
0x5a: {  	_ =	shalt  }
0x5b: {  	_ =	shalt  }
0x5c: {  	_ =	shalt  }
0x5d: {  	_ =	shalt  }
0x5e: {  	_ =	shalt  }
0x5f: {  	_ =	shalt  }
0x60: {  	_ =	shalt  }
0x61: {  	_ =	shalt  }
0x62: {  	_ =	shalt  }
0x63: {  	_ =	shalt  }
0x64: {  	_ =	shalt  }
0x65: {  	_ =	shalt  }
0x66: {  	_ =	shalt  }
0x67: {  	_ =	shalt  }
0x68: {  	_ =	shalt  }
0x69: {  	_ =	shalt  }
0x6a: {  	_ =	shalt  }
0x6b: {  	_ =	shalt  }
0x6c: {  	_ =	shalt  }
0x6d: {  	_ =	shalt  }
0x6e: {  	_ =	shalt  }
0x6f: {  	_ =	shalt  }
0x70: {  	_ =	shalt  }
0x71: {  	_ =	shalt  }
0x72: {  	_ =	shalt  }
0x73: {  	_ =	shalt  }
0x74: {  	_ =	shalt  }
0x75: {  	_ =	shalt  }
0x76: {  	_ =	shalt  }
0x77: {  	_ =	shalt  }
0x78: {  	_ =	shalt  }
0x79: {  	_ =	shalt  }
0x7a: {  	_ =	shalt  }
0x7b: {  	_ =	shalt  }
0x7c: {  	_ =	shalt  }
0x7d: {  	_ =	shalt  }
0x7e: {  	_ =	shalt  }
0x7f: {  	_ =	shalt  }
0x80: {  	_ =	shalt  }
0x81: {  	_ =	shalt  }
0x82: {  	_ =	shalt  }
0x83: {  	_ =	shalt  }
0x84: {  	_ =	shalt  }
0x85: {  	_ =	shalt  }
0x86: {  	_ =	shalt  }
0x87: {  	_ =	shalt  }
.Lfunc_end0:
.L_simem_size_0:
called_computation.2_lowered:
.L_overlay_start_0:
0x88: {  	s2 =	sld [smem:$0x3FD9]  }
0x89: {  	s3 =	sld [smem:$0x3FFE];
	_ =	sdelay $0x1  }
0x8a: {  	s1 =	srdreg.scid  }
0x8b: {  	s0 =	sand.u32 $0x1, s1  }
0x8c: {  	s17 =	sshll.u32 s0, $0xA;
	s2 =	sadd.s32 s3, s2  }
0x8d: {  	s2 =	sadd.s32 s2, s17  }
0x8e: {  	[smem:$0x3FBA] =	sst s2  }
0x8f: {  	_ = 	snop  }
0x90: {  	s2 =	sld [smem:$0x3FD0];
	(tm) =	ssettm $0x1  }
0x91: {  	s18 =	sld [smem:$0x3FFB];
	_ =	sdelay $0x3  }
0x92: {  	_ =	strace s18  }
0x93: {  	s3 =	sld [smem:$0x3FFC];
	_ =	sdelay $0x3  }
0x94: {  	_ =	strace s3  }
0x95: {  	s3 =	sld [smem:$0x3FFD];
	_ =	sdelay $0x3  }
0x96: {  	_ =	strace s3  }
0x97: {  	_ =	strace $0x8FFFFFFF  }
0x98: {  	s19 =	sld [smem:$0x3FDB];
	_ =	sdelay $0x1  }
0x99: {  	s4 =	simm.s32 $_scs_section_size  }
0x9a: {  	s5 =	simm.s32 $_size__tile_overlayer_lowered;
	s6 =	simm.s32 $_tile_overlayer_lowered  }
0x9b: {  	s22 =	simm.s32 $0x1BFF;
	s21 =	sshll.u32 s6, $0x1;
	s3 =	sadd.s32 s4, s19  }
0x9c: {  	s7 =	simm.s32 $0x0;
	s20 =	sshll.u32 s5, $0x1;
	s5 =	sadd.s32 s21, s3  }
0x9d: {  	[timem:s7], [sflag:s22] =	dma.local [hbm:s5], s20  }
0x9e: {  	_ =	swait.ge [sflag:s22], s20  }
0x9f: {  	s4 =	ssub.s32 $0x0, s20;
	[sflag:s22] =	ssyncset.done $0x0  }
0xa0: {  	[sflag:s22] =	ssyncadd.s32 s4;
	_ =	sdelay $0x1  }
0xa1: {  	s23 =	simm.s32 $0x1B8B  }
0xa2: {  	_ =	swait.ge [sflag:s23], $0x1  }
0xa3: {  	[sflag:s23] =	ssyncset.done $0x0  }
0xa4: {  	s25 =	simm.s32 $0x1B8E;
	s24 =	sld [smem:$0x3FFE];
	[sflag:s23] =	ssyncadd.s32 $0xFFFFFFFF  }
0xa5: {  	s26 =	simm.s32 $execute0_lowered;
	[smem:$0x3FD2] =	sst s25  }
0xa6: {  	s5 =	sshll.u32 s26, $0x1;
	_ =	strace $0x8000004C;
	[dreg:$0x1] =	wrdreg $0xFFFFFFFF  }
0xa7: {  	s28 =	simm.s32 $_size_execute0_lowered;
	s3 =	sadd.s32 s3, s5;
	[dreg:$0x0] =	wrdreg $0x0  }
0xa8: {  	s5 =	sshll.u32 s28, $0x1;
	[dreg:$0x2] =	wrdreg s3  }
0xa9: {  	[dreg:$0x3] =	wrdreg s5  }
0xaa: {  	[dreg:$0x4] =	wrdreg $0xC0  }
0xab: {  	_ =	task [dreg:s7], $0x5FFFF  }
0xac: {  	[dreg:$0x1] =	wrdreg $0xFFFFFFFF  }
0xad: {  	[dreg:$0x0] =	wrdreg $0x60  }
0xae: {  	[dreg:$0x2] =	wrdreg s24  }
0xaf: {  	[dreg:$0x3] =	wrdreg s2  }
0xb0: {  	[dreg:$0x4] =	wrdreg $0x28000  }
0xb1: {  	[dreg:$0x5] =	wrdreg $0x9  }
0xb2: {  	_ =	task.clear_ibuf [dreg:s7], $0x6FFFF;
	_ =	strace $0x9000004C  }
0xb3: {  	s29 =	simm.s32 $0x9;
	_ =	strace $0x8000004E  }
0xb4: {  	_ =	swait.ge [sflag:s29], $0x1  }
0xb5: {  	[sflag:s29] =	ssyncadd.s32 $0xFFFFFFFF  }
0xb6: {  	_ =	strace $0x9000004E  }
0xb7: {  	_ =	sfence  }
0xb8: {  	s30 =	sld [smem:$0x0];
	_ =	sdelay $0x2  }
0xb9: {  	s31 =	sshll.u32 s1, $0xD;
	s1 =	sshrl.u32 s1, $0x2  }
0xba: {  	s3 =	sand.u32 $0x4000, s31;
	s1 =	sadd.s32 s1, s30  }
0xbb: {  	s0 =	sor.u32 s3, s0;
	s1 =	sshll.u32 s1, $0x11  }
0xbc: {  	s0 =	sor.u32 s1, s0  }
0xbd: {  	s0 =	sadd.s32 $0x8F2B, s0  }
0xbe: {  	[sflag:s0] =	ssyncadd.remote.s32 $0x1  }
0xbf: {  	_ =	sfence.sel $0xFFFF  }
0xc0: {  	[dreg:$0x0] =	wrdreg $0xFFFFFFFF;
	(pc) =	sbr.abs _section_cstart, $3  }
0xc1: {  	[dreg:$0x1] =	wrdreg $0xFFFFFFFF  }
0xc2: {  	_ =	task.clear_ibuf [dreg:s7], $0x2FFFF;
	_ =	strace $0x9FFFFFFF  }
0xc3: {  	(tm) =	ssettm $0x7FFFFFFF  }
tec
execute0_lowered:
.L_overlay_start_1:
0x0: {  	(tag) =	ssettag $0x1  }
0x1: {  	s0 =	rddreg [dreg:$0x0]  }
0x2: {  	s1 =	rddreg [dreg:$0x1]  }
0x3: {  	s2 =	rddreg [dreg:$0x2]  }
0x4: {  	s17 =	stileid.u32;
	s3 =	srdreg.scid;
	s19 =	simm.s32 $0x5  }
0x5: {  	s20 =	simm.s32 $0x80;
	s21 =	simm.s32 $0x16800;
	s4 =	smul.u32 $0x14000, s17  }
0x6: {  	s22 =	simm.s32 $0x1A800;
	s30 =	simm.s32 $0x0;
	s13 =	smul.u32 $0x50000, s17  }
0x7: {  	s12 =	sand.u32 $0x1, s3;
	s5 =	sshll.u32 s17, $0x1;
	s28 =	smul.u32 $0xA0, s17  }
0x8: {  	s3 =	simm.s32 $0x0;
	s14 =	sadd.s32 $0x38A00, s0;
	s23 =	smul.u32 $0x140000, s12  }
0x9: {  	s25 =	sshll.u32 s17, $0x6;
	s7 =	sor.u32 s12, s5;
	s29 =	smul.u32 $0x50, s12  }
0xa: {  	[smem:$0x7FF] =	sst s3;
	s24 =	ssub.s32 $0x2, s12;
	s31 =	smul.u32 $0x28000, s12  }
0xb: {  	s6 =	sshrl.u32 s4, $0x3;
	s8 =	smul.u32 $0x500, s7;
	_ =	strace $0x8000004D  }
0xc: {  	s10 =	sshrl.u32 s24, $0x1;
	s15 =	sshrl.u32 s13, $0x2;
	s26 =	smul.u32 $0x28000, s7  }
0xd: {  	s6 =	sadd.s32 s6, s0;
	s4 =	sadd.s32 s4, s23;
	s16 =	ssub.s32 s24, s10  }
0xe: {  	s18 =	sadd.s32 s15, s2;
	s23 =	simm.s32 $0x1;
	s24 =	simm.s32 $0x3  }
0xf: {  	s9 =	sadd.s32 s8, s0;
	s5 =	sshrl.u32 s4, $0x3;
	s4 =	sadd.s32 $0x36200, s0  }
0x10: {  	s8 =	sadd.s32 s1, s8;
	s12 =	smax.u32 s16, $0x1;
	s1 =	sadd.s32 s29, s28  }
0x11: {  	s18 =	sshrl.u32 s18, $0x3;
	s11 =	sadd.s32 s5, s0;
	s5 =	sadd.s32 $0x4200, s6  }
0x12: {  	s6 =	sor.u32 $0x1C05, s25;
	s7 =	sadd.s32 $0x2C200, s9;
	s9 =	sadd.s32 s14, s26  }
0x13: {  	s0 =	sadd.s32 $0x39200, s0;
	s14 =	sadd.s32 s13, s14;
	s1 =	sshll.u32 s1, $0xB  }
0x14: {  	s25 =	simm.s32 $0x2;
	s10 =	sadd.s32 s26, s0;
	s11 =	sadd.s32 $0x538A00, s11  }
0x15: {  	s13 =	sadd.s32 $0x27000, s9;
	s14 =	sadd.s32 s31, s14;
	s15 =	sadd.s32 $0x27800, s9  }
0x16: {  	s16 =	sadd.s32 s1, s0;
	s26 =	simm.s32 $0x4;
	s17 =	sadd.s32 $0x1800, s14  }
.LBB2_1:
0x17: {  	[spmem:s18], [sflag:s6] =	dma.local [hbm:s5], $0x2800  }
0x18: {  	_ =	swait.ge [sflag:s19], $0x2800  }
0x19: {  	[sflag:s19] =	ssyncset.done $0x0  }
0x1a: {  	[sflag:s19] =	ssyncadd.s32 $0xFFFFD800  }
0x1b: {  	[bflag:$0x0] =	sbarrier.arrive $0xFFFF  }
0x1c: {  	[tilespmem:s3], [sflag:$0x5] =	stream.linear.gather [hbm4b:s7+s3], $0x2800, $0x38;
	[tilespmem:$0x1E800] =	vst v63  }
0x1d: {  	_ =	swait.ge [sflag:s19], $0x2800  }
0x1e: {  	[sflag:s19] =	ssyncset.done $0x0  }
0x1f: {  	[sflag:s19] =	ssyncadd.s32 $0xFFFFD800  }
0x20: {  	[tilespmem:s21], [sflag:$0x1] =	stream.indirect.gather [spmem:s2], $0x80, s3, s20, $0xb8;
	[tilespmem:$0x1E800] =	vst v63  }
0x21: {  	_ = 	snop  }
0x22: {  	[tilespmem:s22], [sflag:$0x2] =	stream.indirect.gather [spmem:s2], $0x80, s20, s20, $0xb8;
	[tilespmem:$0x1E800] =	vst v63  }
0x23: {  	_ =	swait.ge [sflag:s23], $0x4000  }
0x24: {  	[sflag:s23] =	ssyncset.done $0x0  }
0x25: {  	s0 =	sadd.s32 $0x0, s14;
	[sflag:s23] =	ssyncadd.s32 $0xFFFFC000  }
0x26: {  	[hbm4b:s0+s3] =	stream.linear.scatter [tilespmem:s21], [sflag:$0x3], $0x4000, $0x38;
	[tilespmem:$0x1E800] =	vst v63  }
0x27: {  	_ =	swait.ge [sflag:s24], $0x4000  }
0x28: {  	[sflag:s24] =	ssyncset.done $0x0  }
0x29: {  	s28 =	simm.s32 $0x100;
	[sflag:s24] =	ssyncadd.s32 $0xFFFFC000  }
0x2a: {  	[tilespmem:s21], [sflag:$0x1] =	stream.indirect.gather [spmem:s2], $0x80, s28, s20, $0xb8;
	[tilespmem:$0x1E800] =	vst v63  }
0x2b: {  	_ =	swait.ge [sflag:s25], $0x4000  }
0x2c: {  	[sflag:s25] =	ssyncset.done $0x0  }
0x2d: {  	s29 =	sadd.s32 $0x0, s16;
	[sflag:s25] =	ssyncadd.s32 $0xFFFFC000  }
0x2e: {  	[hbm4b:s29+s3] =	stream.linear.scatter [tilespmem:s22], [sflag:$0x4], $0x4000, $0x38;
	[tilespmem:$0x1E800] =	vst v63  }
0x2f: {  	_ =	swait.ge [sflag:s26], $0x4000  }
0x30: {  	s31 =	simm.s32 $0x180;
	[sflag:s26] =	ssyncset.done $0x0  }
0x31: {  	s1 =	simm.s32 $0x280;
	s0 =	simm.s32 $0x1000;
	[sflag:s26] =	ssyncadd.s32 $0xFFFFC000  }
.LBB2_2:
0x32: {  	[tilespmem:s22], [sflag:$0x2] =	stream.indirect.gather [spmem:s2], $0x80, s31, s20, $0xb8;
	[tilespmem:$0x1E800] =	vst v63  }
0x33: {  	s28 =	smov.u32 s0;
	s31 =	smov.u32 s1  }
0x34: {  	p0 =	sne.s32 s0, $0x26000;
	s0 =	sadd.s32 $0x1000, s0;
	_ =	swait.ge [sflag:s23], $0x4000  }
0x35: {  	[sflag:s23] =	ssyncset.done $0x0  }
0x36: {  	s29 =	sadd.s32 s28, s14;
	[sflag:s23] =	ssyncadd.s32 $0xFFFFC000  }
0x37: {  	[hbm4b:s29+s3] =	stream.linear.scatter [tilespmem:s21], [sflag:$0x3], $0x4000, $0x38;
	[tilespmem:$0x1E800] =	vst v63  }
0x38: {  	_ =	swait.ge [sflag:s24], $0x4000  }
0x39: {  	[sflag:s24] =	ssyncset.done $0x0  }
0x3a: {  	s29 =	sadd.s32 $0xFFFFFF80, s1;
	[sflag:s24] =	ssyncadd.s32 $0xFFFFC000  }
0x3b: {  	[tilespmem:s21], [sflag:$0x1] =	stream.indirect.gather [spmem:s2], $0x80, s29, s20, $0xb8;
	[tilespmem:$0x1E800] =	vst v63  }
0x3c: {  	_ =	swait.ge [sflag:s25], $0x4000  }
0x3d: {  	[sflag:s25] =	ssyncset.done $0x0  }
.Ltmp0:
0x3e: {  	s28 =	sadd.s32 s28, s16;
	[sflag:s25] =	ssyncadd.s32 $0xFFFFC000;
	(pc) =	sbr.rel @p0 .LBB2_2-.Ltmp0, $4  }
0x3f: {  	[hbm4b:s28+s3] =	stream.linear.scatter [tilespmem:s22], [sflag:$0x4], $0x4000, $0x38;
	[tilespmem:$0x1E800] =	vst v63  }
0x40: {  	_ =	swait.ge [sflag:s26], $0x4000  }
0x41: {  	[sflag:s26] =	ssyncset.done $0x0  }
0x42: {  	s1 =	sadd.s32 $0x100, s1;
	[sflag:s26] =	ssyncadd.s32 $0xFFFFC000  }
0x43: {  	[tilespmem:s22], [sflag:$0x2] =	stream.indirect.gather [spmem:s2], $0x80, s31, s20, $0xb8;
	[tilespmem:$0x1E800] =	vst v63  }
0x44: {  	_ =	swait.ge [sflag:s23], $0x4000  }
0x45: {  	[sflag:s23] =	ssyncset.done $0x0  }
0x46: {  	s0 =	simm.s32 $0x0;
	[sflag:s23] =	ssyncadd.s32 $0xFFFFC000  }
0x47: {  	[hbm4b:s13+s0] =	stream.linear.scatter [tilespmem:s21], [sflag:$0x3], $0x4000, $0x38;
	[tilespmem:$0x1E800] =	vst v63  }
0x48: {  	_ =	swait.ge [sflag:s24], $0x4000  }
0x49: {  	[sflag:s24] =	ssyncset.done $0x0  }
0x4a: {  	[sflag:s24] =	ssyncadd.s32 $0xFFFFC000  }
0x4b: {  	_ =	swait.ge [sflag:s25], $0x4000  }
0x4c: {  	[sflag:s25] =	ssyncset.done $0x0  }
0x4d: {  	[sflag:s25] =	ssyncadd.s32 $0xFFFFC000  }
0x4e: {  	[hbm4b:s15+s0] =	stream.linear.scatter [tilespmem:s22], [sflag:$0x4], $0x4000, $0x38;
	[tilespmem:$0x1E800] =	vst v63  }
0x4f: {  	_ =	swait.ge [sflag:s26], $0x4000  }
0x50: {  	[sflag:s26] =	ssyncset.done $0x0  }
0x51: {  	[sflag:s26] =	ssyncadd.s32 $0xFFFFC000  }
0x52: {  	[bflag:$0x0] =	sbarrier.arrive $0xFFFF  }
0x53: {  	[spmem:s18], [sflag:s6] =	dma.local [hbm:s4], $0x2800  }
0x54: {  	_ =	swait.ge [sflag:s19], $0x2800  }
0x55: {  	[sflag:s19] =	ssyncset.done $0x0  }
0x56: {  	[sflag:s19] =	ssyncadd.s32 $0xFFFFD800  }
0x57: {  	[bflag:$0x0] =	sbarrier.arrive $0xFFFF  }
0x58: {  	[tilespmem:s0], [sflag:$0x5] =	stream.linear.gather [hbm4b:s8+s0], $0x2800, $0x38;
	[tilespmem:$0x1E800] =	vst v63  }
0x59: {  	_ =	swait.ge [sflag:s19], $0x2800  }
0x5a: {  	[sflag:s19] =	ssyncset.done $0x0  }
0x5b: {  	[sflag:s19] =	ssyncadd.s32 $0xFFFFD800  }
0x5c: {  	[tilespmem:s21], [sflag:$0x1] =	stream.linear.gather [hbm4b:s9+s0], $0x4000, $0x38;
	[tilespmem:$0x1E800] =	vst v63  }
0x5d: {  	_ = 	snop  }
0x5e: {  	[tilespmem:s22], [sflag:$0x2] =	stream.linear.gather [hbm4b:s10+s0], $0x4000, $0x38;
	[tilespmem:$0x1E800] =	vst v63  }
0x5f: {  	_ =	swait.ge [sflag:s23], $0x4000  }
0x60: {  	[sflag:s23] =	ssyncset.done $0x0  }
0x61: {  	s1 =	simm.s32 $0x0;
	[sflag:s23] =	ssyncadd.s32 $0xFFFFC000  }
0x62: {  	[spmem:s2] =	stream.indirect.scatter.add.f32 [tilespmem:s21], [sflag:$0x5], $0x80, s1, s20, $0xb8;
	[tilespmem:$0x1E800] =	vst v63  }
0x63: {  	_ =	swait.ge [sflag:s19], $0x4000  }
0x64: {  	[sflag:s19] =	ssyncset.done $0x0  }
0x65: {  	s28 =	sadd.s32 $0xFFFFF800, s17;
	[sflag:s19] =	ssyncadd.s32 $0xFFFFC000  }
0x66: {  	[tilespmem:s21], [sflag:$0x1] =	stream.linear.gather [hbm4b:s28+s3], $0x4000, $0x38;
	[tilespmem:$0x1E800] =	vst v63  }
0x67: {  	_ =	swait.ge [sflag:s25], $0x4000  }
0x68: {  	[sflag:s25] =	ssyncset.done $0x0  }
0x69: {  	s29 =	simm.s32 $0x80;
	[sflag:s25] =	ssyncadd.s32 $0xFFFFC000  }
0x6a: {  	[spmem:s2] =	stream.indirect.scatter.add.f32 [tilespmem:s22], [sflag:$0x5], $0x80, s29, s20, $0xb8;
	[tilespmem:$0x1E800] =	vst v63  }
0x6b: {  	_ =	swait.ge [sflag:s19], $0x4000  }
0x6c: {  	s31 =	simm.s32 $0x400;
	[sflag:s19] =	ssyncset.done $0x0  }
0x6d: {  	s0 =	sadd.s32 $0x1000, s17;
	s1 =	smov.u32 s17;
	[sflag:s19] =	ssyncadd.s32 $0xFFFFC000  }
.LBB2_4:
0x6e: {  	[tilespmem:s22], [sflag:$0x2] =	stream.linear.gather [hbm4b:s1+s3], $0x4000, $0x38;
	[tilespmem:$0x1E800] =	vst v63  }
0x6f: {  	s28 =	smov.u32 s31;
	s1 =	smov.u32 s0  }
0x70: {  	p0 =	sne.s32 s31, $0x9800;
	s31 =	sadd.s32 $0x400, s31;
	_ =	swait.ge [sflag:s23], $0x4000  }
0x71: {  	[sflag:s23] =	ssyncset.done $0x0  }
0x72: {  	s28 =	sshra.s32 s28, $0x2;
	[sflag:s23] =	ssyncadd.s32 $0xFFFFC000  }
0x73: {  	[spmem:s2] =	stream.indirect.scatter.add.f32 [tilespmem:s21], [sflag:$0x5], $0x80, s28, s20, $0xb8;
	[tilespmem:$0x1E800] =	vst v63  }
0x74: {  	_ =	swait.ge [sflag:s19], $0x4000  }
0x75: {  	[sflag:s19] =	ssyncset.done $0x0  }
0x76: {  	s29 =	sadd.s32 $0xFFFFF800, s0;
	[sflag:s19] =	ssyncadd.s32 $0xFFFFC000  }
0x77: {  	[tilespmem:s21], [sflag:$0x1] =	stream.linear.gather [hbm4b:s29+s3], $0x4000, $0x38;
	[tilespmem:$0x1E800] =	vst v63  }
0x78: {  	_ =	swait.ge [sflag:s25], $0x4000  }
0x79: {  	[sflag:s25] =	ssyncset.done $0x0  }
.Ltmp1:
0x7a: {  	s28 =	sadd.s32 $0x80, s28;
	[sflag:s25] =	ssyncadd.s32 $0xFFFFC000;
	(pc) =	sbr.rel @p0 .LBB2_4-.Ltmp1, $4  }
0x7b: {  	[spmem:s2] =	stream.indirect.scatter.add.f32 [tilespmem:s22], [sflag:$0x5], $0x80, s28, s20, $0xb8;
	[tilespmem:$0x1E800] =	vst v63  }
0x7c: {  	_ =	swait.ge [sflag:s19], $0x4000  }
0x7d: {  	[sflag:s19] =	ssyncset.done $0x0  }
0x7e: {  	s0 =	sadd.s32 $0x1000, s0;
	[sflag:s19] =	ssyncadd.s32 $0xFFFFC000  }
0x7f: {  	[tilespmem:s22], [sflag:$0x2] =	stream.linear.gather [hbm4b:s1+s3], $0x4000, $0x38;
	[tilespmem:$0x1E800] =	vst v63  }
0x80: {  	_ =	swait.ge [sflag:s23], $0x4000  }
0x81: {  	[sflag:s23] =	ssyncset.done $0x0  }
0x82: {  	s0 =	simm.s32 $0x2700;
	[sflag:s23] =	ssyncadd.s32 $0xFFFFC000  }
0x83: {  	[spmem:s2] =	stream.indirect.scatter.add.f32 [tilespmem:s21], [sflag:$0x5], $0x80, s0, s20, $0xb8;
	[tilespmem:$0x1E800] =	vst v63  }
0x84: {  	_ =	swait.ge [sflag:s19], $0x4000  }
0x85: {  	[sflag:s19] =	ssyncset.done $0x0  }
0x86: {  	[sflag:s19] =	ssyncadd.s32 $0xFFFFC000  }
0x87: {  	_ =	swait.ge [sflag:s25], $0x4000  }
0x88: {  	[sflag:s25] =	ssyncset.done $0x0  }
0x89: {  	s31 =	simm.s32 $0x2780;
	[sflag:s25] =	ssyncadd.s32 $0xFFFFC000  }
0x8a: {  	[spmem:s2] =	stream.indirect.scatter.add.f32 [tilespmem:s22], [sflag:$0x5], $0x80, s31, s20, $0xb8;
	[tilespmem:$0x1E800] =	vst v63  }
0x8b: {  	_ =	swait.ge [sflag:s19], $0x4000  }
0x8c: {  	s30 =	sadd.s32 $0x1, s30;
	[sflag:s19] =	ssyncset.done $0x0  }
0x8d: {  	p0 =	sne.s32 s30, s12;
	[sflag:s19] =	ssyncadd.s32 $0xFFFFC000  }
.Ltmp2:
0x8e: {  	[bflag:$0x0] =	sbarrier.arrive $0xFFFF;
	(pc) =	sbr.rel @p0 .LBB2_1-.Ltmp2, $4  }
0x8f: {  	[hbm:s11], [sflag:s6] =	dma.local [spmem:s18], $0x2800  }
0x90: {  	_ =	swait.ge [sflag:s19], $0x2800  }
0x91: {  	[sflag:s19] =	ssyncset.done $0x0  }
0x92: {  	[sflag:s19] =	ssyncadd.s32 $0xFFFFD800  }
0x93: {  	_ =	sfence.sel $0x180000  }
0x94: {  	[bflag:$0x0] =	sbarrier.arrive $0xFFFF  }
0x95: {  	_ =	strace $0x9000004D  }
0x96: {  	s0 =	stileid.u32;
	[bflag:$0x2] =	sbarrier.arrive $0xFFFF  }
0x97: {  	p0 =	sne.s32 s0, $0x0;
	s0 =	rddreg [dreg:$0x3]  }
0x98: {  	s0 =	sadd.s32 @!p0 $0x100000, s0  }
0x99: {  	[sflag:s0] =	ssyncadd.tile.s32 @!p0 $0x1;
	_ =	shalt  }
.Lfunc_end2:
_tile_overlayer_lowered:
.L_overlay_start_2:
0x9a: {  	(tag) =	ssettag $0x2  }
0x9b: {  	s0 =	rddreg [dreg:$0x0];
	s2 =	stileid.u32  }
0x9c: {  	s1 =	rddreg [dreg:$0x1];
	p0 =	sne.s32 s2, $0x0  }
0x9d: {  	s3 =	rddreg [dreg:$0x2];
	[bflag:$0x3] =	sbarrier.arrive $0xFFFF;
	s2 =	simm.s32 @!p0 $0x1C05  }
0x9e: {  	[timem:s3], [sflag:s2] =	dma.local @!p0 [hbm:s0], s1  }
0x9f: {  	s0 =	simm.s32 @!p0 $0x5  }
0xa0: {  	_ =	swait.ge @!p0 [sflag:s0], s1  }
0xa1: {  	s1 =	ssub.s32 @!p0 $0x0, s1;
	[sflag:s0] =	ssyncset.done @!p0 $0x0  }
0xa2: {  	[sflag:s0] =	ssyncadd.s32 @!p0 s1  }
0xa3: {  	[bflag:$0x3] =	sbarrier.arrive $0xFFFF  }
0xa4: {  	_ =	shalt  }

// kernel: kernel.8.cloned.1.call-start
scs
__scs_entry_jumppad:
0x0: {  	(pc) =	sbr.rel $0x88, $3  }
0x1: {  	(tag) =	ssettag $0x0;
	lr =	simm.s32 $0x1  }
0x2: {  	[smem:$0x3F93] =	sst lr;
	_ =	strace $0xD0000000  }
0x3: {  	_ = 	snop  }
0x4: {  	_ = 	snop  }
0x5: {  	_ = 	snop  }
0x6: {  	_ = 	snop  }
0x7: {  	_ = 	snop  }
__scs_overlays_trampoline_lowered:
0x8: {  	[smem:$0x3FA2] =	sst s0  }
0x9: {  	[smem:$0x3FA3] =	sst s1  }
0xa: {  	[smem:$0x3FA4] =	sst s2  }
0xb: {  	[smem:$0x3FA5] =	sst s3  }
0xc: {  	[smem:$0x3FA6] =	sst s4  }
0xd: {  	[smem:$0x3FA7] =	sst s5  }
0xe: {  	[smem:$0x3FA8] =	sst s6  }
0xf: {  	[smem:$0x3FA9] =	sst s7  }
0x10: {  	[smem:$0x3FAA] =	sst s8  }
0x11: {  	[smem:$0x3FAB] =	sst s9;
	s0 =	simm.s32 @!p0 $0x0  }
0x12: {  	s1 =	sld [smem:$0x3F91];
	s0 =	simm.s32 @p0 $0x1  }
0x13: {  	[smem:$0x3FAC] =	sst s0;
	s0 =	simm.s32 @!p1 $0x0  }
0x14: {  	s2 =	sld [smem:$0x3F90];
	s0 =	simm.s32 @p1 $0x1  }
0x15: {  	[smem:$0x3FAD] =	sst s0;
	s0 =	simm.s32 @!p2 $0x0  }
0x16: {  	s3 =	sld [smem:$0x3FDB];
	s0 =	simm.s32 @p2 $0x1  }
0x17: {  	s4 =	simm.s32 $0x1BF5;
	[smem:$0x3FAF] =	sst s0  }
0x18: {  	s0 =	sld [smem:$0x3F92];
	_ =	swait.ge [sflag:s4], $0x0  }
0x19: {  	s7 =	sld [smem:$0x3F93]  }
0x1a: {  	s8 =	sadd.s32 $0xFFFFE003, lr  }
0x1b: {  	s9 =	sadd.s32 $0xFFFFFEF7, lr;
	s5 =	simm.s32 $0xFFFFFFFF;
	p2 =	slt.u32 s8, $0xFFFFF086  }
0x1c: {  	p1 =	slt.u32 s9, $0xF7A;
	s5 =	simm.s32 @!p2 $0x0  }
0x1d: {  	s5 =	simm.s32 @p1 $0x1;
	p0 =	seq.s32 s7, s2  }
0x1e: {  	s7 =	smul.u32 @!p0 $0xF7A, s2;
	p2 =	seq.s32 @!p0 s5, $0x0  }
0x1f: {  	s9 =	smul.u32 $0xF7A, s1;
	s8 =	simm.s32 @!p0 $0x1BF5;
	p2 =	por !p2, p0  }
0x20: {  	[sflag:s8] =	ssyncset.s32 @!p0 $0xFFFFF086;
	s6 =	sadd.s32 @!p0 s3, s7;
	s7 =	simm.s32 @!p0 $0x108  }
0x21: {  	s3 =	sadd.s32 s3, s9;
	s6 =	sadd.s32 @!p0 $0x88, s6;
	s7 =	simm.s32 @p2 $0x1082  }
0x22: {  	[simem:s7], [sflag:s8] =	dma.local @!p0 [hbm:s6], $0xF7A  }
0x23: {  	s9 =	sor.u32 $0xD0000000, s2;
	s6 =	simm.s32 $0x108;
	_ =	swait.ge @!p0 [sflag:s8], $0x0  }
0x24: {  	s3 =	sadd.s32 $0x88, s3;
	s6 =	simm.s32 @!p1 $0x1082;
	[sflag:s4] =	ssyncset.s32 $0xFFFFF086  }
0x25: {  	[simem:s6], [sflag:s4] =	dma.local [hbm:s3], $0xF7A  }
0x26: {  	[smem:$0x3F93] =	sst s1;
	(tag) =	ssettag s2;
	_ =	strace s9  }
0x27: {  	s1 =	sld [smem:$0x3FA3]  }
0x28: {  	s2 =	sld [smem:$0x3FA4]  }
0x29: {  	s4 =	sld [smem:$0x3FA6]  }
0x2a: {  	p0 =	seq.s32 s5, $0x0;
	s5 =	sld [smem:$0x3FA7]  }
0x2b: {  	s6 =	sld [smem:$0x3FA8]  }
0x2c: {  	s7 =	sld [smem:$0x3FA9]  }
0x2d: {  	s3 =	simm.s32 $0x108;
	s8 =	sld [smem:$0x3FAA]  }
0x2e: {  	s3 =	simm.s32 @!p0 $0x1082;
	s9 =	sld [smem:$0x3FAB]  }
0x2f: {  	lr =	sadd.s32 s0, s3;
	s0 =	sld [smem:$0x3FA2]  }
0x30: {  	s3 =	sld [smem:$0x3FA5]  }
0x31: {  	[smem:$0x3FAE] =	sst s10  }
0x32: {  	s10 =	sld [smem:$0x3FAC];
	_ =	sdelay $0x3  }
0x33: {  	p0 =	seq.s32 s10, $0x1;
	s10 =	sld [smem:$0x3FAE];
	_ =	sdelay $0x3  }
0x34: {  	[smem:$0x3FAE] =	sst s10  }
0x35: {  	s10 =	sld [smem:$0x3FAD];
	_ =	sdelay $0x3  }
0x36: {  	p1 =	seq.s32 s10, $0x1;
	s10 =	sld [smem:$0x3FAE];
	_ =	sdelay $0x3  }
0x37: {  	[smem:$0x3FAE] =	sst s10  }
0x38: {  	s10 =	sld [smem:$0x3FAF]  }
0x39: {  	_ = 	snop;
	(pc) =	sbr.ind lr, $3  }
0x3a: {  	_ = 	snop  }
0x3b: {  	_ = 	snop  }
0x3c: {  	p2 =	seq.s32 s10, $0x1;
	s10 =	sld [smem:$0x3FAE]  }
0x3d: {  	_ =	shalt  }
0x3e: {  	_ =	shalt  }
0x3f: {  	_ =	shalt  }
0x40: {  	_ =	shalt  }
0x41: {  	_ =	shalt  }
0x42: {  	_ =	shalt  }
0x43: {  	_ =	shalt  }
0x44: {  	_ =	shalt  }
0x45: {  	_ =	shalt  }
0x46: {  	_ =	shalt  }
0x47: {  	_ =	shalt  }
0x48: {  	_ =	shalt  }
0x49: {  	_ =	shalt  }
0x4a: {  	_ =	shalt  }
0x4b: {  	_ =	shalt  }
0x4c: {  	_ =	shalt  }
0x4d: {  	_ =	shalt  }
0x4e: {  	_ =	shalt  }
0x4f: {  	_ =	shalt  }
0x50: {  	_ =	shalt  }
0x51: {  	_ =	shalt  }
0x52: {  	_ =	shalt  }
0x53: {  	_ =	shalt  }
0x54: {  	_ =	shalt  }
0x55: {  	_ =	shalt  }
0x56: {  	_ =	shalt  }
0x57: {  	_ =	shalt  }
0x58: {  	_ =	shalt  }
0x59: {  	_ =	shalt  }
0x5a: {  	_ =	shalt  }
0x5b: {  	_ =	shalt  }
0x5c: {  	_ =	shalt  }
0x5d: {  	_ =	shalt  }
0x5e: {  	_ =	shalt  }
0x5f: {  	_ =	shalt  }
0x60: {  	_ =	shalt  }
0x61: {  	_ =	shalt  }
0x62: {  	_ =	shalt  }
0x63: {  	_ =	shalt  }
0x64: {  	_ =	shalt  }
0x65: {  	_ =	shalt  }
0x66: {  	_ =	shalt  }
0x67: {  	_ =	shalt  }
0x68: {  	_ =	shalt  }
0x69: {  	_ =	shalt  }
0x6a: {  	_ =	shalt  }
0x6b: {  	_ =	shalt  }
0x6c: {  	_ =	shalt  }
0x6d: {  	_ =	shalt  }
0x6e: {  	_ =	shalt  }
0x6f: {  	_ =	shalt  }
0x70: {  	_ =	shalt  }
0x71: {  	_ =	shalt  }
0x72: {  	_ =	shalt  }
0x73: {  	_ =	shalt  }
0x74: {  	_ =	shalt  }
0x75: {  	_ =	shalt  }
0x76: {  	_ =	shalt  }
0x77: {  	_ =	shalt  }
0x78: {  	_ =	shalt  }
0x79: {  	_ =	shalt  }
0x7a: {  	_ =	shalt  }
0x7b: {  	_ =	shalt  }
0x7c: {  	_ =	shalt  }
0x7d: {  	_ =	shalt  }
0x7e: {  	_ =	shalt  }
0x7f: {  	_ =	shalt  }
0x80: {  	_ =	shalt  }
0x81: {  	_ =	shalt  }
0x82: {  	_ =	shalt  }
0x83: {  	_ =	shalt  }
0x84: {  	_ =	shalt  }
0x85: {  	_ =	shalt  }
0x86: {  	_ =	shalt  }
0x87: {  	_ =	shalt  }
.Lfunc_end0:
.L_simem_size_0:
called_computation_lowered:
.L_overlay_start_0:
0x88: {  	s2 =	sld [smem:$0x3FD9]  }
0x89: {  	s3 =	sld [smem:$0x3FFE];
	_ =	sdelay $0x1  }
0x8a: {  	s1 =	srdreg.scid  }
0x8b: {  	s0 =	sand.u32 $0x1, s1  }
0x8c: {  	s17 =	sshll.u32 s0, $0xA;
	s2 =	sadd.s32 s3, s2  }
0x8d: {  	s2 =	sadd.s32 s2, s17  }
0x8e: {  	[smem:$0x3FBA] =	sst s2  }
0x8f: {  	_ = 	snop  }
0x90: {  	s2 =	sld [smem:$0x3FD0];
	(tm) =	ssettm $0x1  }
0x91: {  	s18 =	sld [smem:$0x3FFB];
	_ =	sdelay $0x3  }
0x92: {  	_ =	strace s18  }
0x93: {  	s3 =	sld [smem:$0x3FFC];
	_ =	sdelay $0x3  }
0x94: {  	_ =	strace s3  }
0x95: {  	s3 =	sld [smem:$0x3FFD];
	_ =	sdelay $0x3  }
0x96: {  	_ =	strace s3  }
0x97: {  	_ =	strace $0x8FFFFFFF  }
0x98: {  	s19 =	sld [smem:$0x3FDB];
	_ =	sdelay $0x1  }
0x99: {  	s4 =	simm.s32 $_scs_section_size  }
0x9a: {  	s5 =	simm.s32 $_size__tile_overlayer_lowered;
	s6 =	simm.s32 $_tile_overlayer_lowered  }
0x9b: {  	s22 =	simm.s32 $0x1BFF;
	s21 =	sshll.u32 s6, $0x1;
	s3 =	sadd.s32 s4, s19  }
0x9c: {  	s7 =	simm.s32 $0x0;
	s20 =	sshll.u32 s5, $0x1;
	s5 =	sadd.s32 s21, s3  }
0x9d: {  	[timem:s7], [sflag:s22] =	dma.local [hbm:s5], s20  }
0x9e: {  	_ =	swait.ge [sflag:s22], s20  }
0x9f: {  	s4 =	ssub.s32 $0x0, s20;
	[sflag:s22] =	ssyncset.done $0x0  }
0xa0: {  	[sflag:s22] =	ssyncadd.s32 s4;
	_ =	sdelay $0x1  }
0xa1: {  	s23 =	simm.s32 $0x1B8B  }
0xa2: {  	_ =	swait.ge [sflag:s23], $0x1  }
0xa3: {  	[sflag:s23] =	ssyncset.done $0x0  }
0xa4: {  	s25 =	simm.s32 $0x1B8E;
	s24 =	sld [smem:$0x3FFE];
	[sflag:s23] =	ssyncadd.s32 $0xFFFFFFFF  }
0xa5: {  	s26 =	simm.s32 $execute0_lowered;
	[smem:$0x3FD2] =	sst s25  }
0xa6: {  	s5 =	sshll.u32 s26, $0x1;
	_ =	strace $0x80000046;
	[dreg:$0x1] =	wrdreg $0xFFFFFFFF  }
0xa7: {  	s28 =	simm.s32 $_size_execute0_lowered;
	s3 =	sadd.s32 s3, s5;
	[dreg:$0x0] =	wrdreg $0x0  }
0xa8: {  	s5 =	sshll.u32 s28, $0x1;
	[dreg:$0x2] =	wrdreg s3  }
0xa9: {  	[dreg:$0x3] =	wrdreg s5  }
0xaa: {  	[dreg:$0x4] =	wrdreg $0xC0  }
0xab: {  	_ =	task [dreg:s7], $0x5FFFF  }
0xac: {  	[dreg:$0x1] =	wrdreg $0xFFFFFFFF  }
0xad: {  	[dreg:$0x0] =	wrdreg $0x60  }
0xae: {  	[dreg:$0x2] =	wrdreg s24  }
0xaf: {  	[dreg:$0x3] =	wrdreg s2  }
0xb0: {  	[dreg:$0x4] =	wrdreg $0x28000  }
0xb1: {  	[dreg:$0x5] =	wrdreg $0x9  }
0xb2: {  	_ =	task.clear_ibuf [dreg:s7], $0x6FFFF;
	_ =	strace $0x90000046  }
0xb3: {  	s29 =	simm.s32 $0x9;
	_ =	strace $0x80000048  }
0xb4: {  	_ =	swait.ge [sflag:s29], $0x1  }
0xb5: {  	[sflag:s29] =	ssyncadd.s32 $0xFFFFFFFF  }
0xb6: {  	_ =	strace $0x90000048  }
0xb7: {  	_ =	sfence  }
0xb8: {  	s30 =	sld [smem:$0x0];
	_ =	sdelay $0x2  }
0xb9: {  	s31 =	sshll.u32 s1, $0xD;
	s1 =	sshrl.u32 s1, $0x2  }
0xba: {  	s3 =	sand.u32 $0x4000, s31;
	s1 =	sadd.s32 s1, s30  }
0xbb: {  	s0 =	sor.u32 s3, s0;
	s1 =	sshll.u32 s1, $0x11  }
0xbc: {  	s0 =	sor.u32 s1, s0  }
0xbd: {  	s0 =	sadd.s32 $0x8F2B, s0  }
0xbe: {  	[sflag:s0] =	ssyncadd.remote.s32 $0x1  }
0xbf: {  	_ =	sfence.sel $0xFFFF  }
0xc0: {  	[dreg:$0x0] =	wrdreg $0xFFFFFFFF;
	(pc) =	sbr.abs _section_cstart, $3  }
0xc1: {  	[dreg:$0x1] =	wrdreg $0xFFFFFFFF  }
0xc2: {  	_ =	task.clear_ibuf [dreg:s7], $0x2FFFF;
	_ =	strace $0x9FFFFFFF  }
0xc3: {  	(tm) =	ssettm $0x7FFFFFFF  }
tec
execute0_lowered:
.L_overlay_start_1:
0x0: {  	(tag) =	ssettag $0x1  }
0x1: {  	s0 =	rddreg [dreg:$0x0]  }
0x2: {  	s1 =	rddreg [dreg:$0x1]  }
0x3: {  	s2 =	rddreg [dreg:$0x2]  }
0x4: {  	s17 =	stileid.u32;
	s3 =	srdreg.scid;
	s19 =	simm.s32 $0x5  }
0x5: {  	s20 =	simm.s32 $0x80;
	s21 =	simm.s32 $0x16800;
	s4 =	smul.u32 $0x14000, s17  }
0x6: {  	s22 =	simm.s32 $0x1A800;
	s30 =	simm.s32 $0x0;
	s13 =	smul.u32 $0x50000, s17  }
0x7: {  	s12 =	sand.u32 $0x1, s3;
	s5 =	sshll.u32 s17, $0x1;
	s28 =	smul.u32 $0xA0, s17  }
0x8: {  	s3 =	simm.s32 $0x0;
	s14 =	sadd.s32 $0x38A00, s0;
	s23 =	smul.u32 $0x140000, s12  }
0x9: {  	s25 =	sshll.u32 s17, $0x6;
	s7 =	sor.u32 s12, s5;
	s29 =	smul.u32 $0x50, s12  }
0xa: {  	[smem:$0x7FF] =	sst s3;
	s24 =	ssub.s32 $0x2, s12;
	s31 =	smul.u32 $0x28000, s12  }
0xb: {  	s6 =	sshrl.u32 s4, $0x3;
	s8 =	smul.u32 $0x500, s7;
	_ =	strace $0x80000047  }
0xc: {  	s10 =	sshrl.u32 s24, $0x1;
	s15 =	sshrl.u32 s13, $0x2;
	s26 =	smul.u32 $0x28000, s7  }
0xd: {  	s6 =	sadd.s32 s6, s0;
	s4 =	sadd.s32 s4, s23;
	s16 =	ssub.s32 s24, s10  }
0xe: {  	s18 =	sadd.s32 s15, s2;
	s23 =	simm.s32 $0x1;
	s24 =	simm.s32 $0x3  }
0xf: {  	s9 =	sadd.s32 s8, s0;
	s5 =	sshrl.u32 s4, $0x3;
	s4 =	sadd.s32 $0x36200, s0  }
0x10: {  	s8 =	sadd.s32 s1, s8;
	s12 =	smax.u32 s16, $0x1;
	s1 =	sadd.s32 s29, s28  }
0x11: {  	s18 =	sshrl.u32 s18, $0x3;
	s11 =	sadd.s32 s5, s0;
	s5 =	sadd.s32 $0x4200, s6  }
0x12: {  	s6 =	sor.u32 $0x1C05, s25;
	s7 =	sadd.s32 $0x2C200, s9;
	s9 =	sadd.s32 s14, s26  }
0x13: {  	s0 =	sadd.s32 $0x39200, s0;
	s14 =	sadd.s32 s13, s14;
	s1 =	sshll.u32 s1, $0xB  }
0x14: {  	s25 =	simm.s32 $0x2;
	s10 =	sadd.s32 s26, s0;
	s11 =	sadd.s32 $0x538A00, s11  }
0x15: {  	s13 =	sadd.s32 $0x27000, s9;
	s14 =	sadd.s32 s31, s14;
	s15 =	sadd.s32 $0x27800, s9  }
0x16: {  	s16 =	sadd.s32 s1, s0;
	s26 =	simm.s32 $0x4;
	s17 =	sadd.s32 $0x1800, s14  }
.LBB2_1:
0x17: {  	[spmem:s18], [sflag:s6] =	dma.local [hbm:s5], $0x2800  }
0x18: {  	_ =	swait.ge [sflag:s19], $0x2800  }
0x19: {  	[sflag:s19] =	ssyncset.done $0x0  }
0x1a: {  	[sflag:s19] =	ssyncadd.s32 $0xFFFFD800  }
0x1b: {  	[bflag:$0x0] =	sbarrier.arrive $0xFFFF  }
0x1c: {  	[tilespmem:s3], [sflag:$0x5] =	stream.linear.gather [hbm4b:s7+s3], $0x2800, $0x38;
	[tilespmem:$0x1E800] =	vst v63  }
0x1d: {  	_ =	swait.ge [sflag:s19], $0x2800  }
0x1e: {  	[sflag:s19] =	ssyncset.done $0x0  }
0x1f: {  	[sflag:s19] =	ssyncadd.s32 $0xFFFFD800  }
0x20: {  	[tilespmem:s21], [sflag:$0x1] =	stream.indirect.gather [spmem:s2], $0x80, s3, s20, $0xb8;
	[tilespmem:$0x1E800] =	vst v63  }
0x21: {  	_ = 	snop  }
0x22: {  	[tilespmem:s22], [sflag:$0x2] =	stream.indirect.gather [spmem:s2], $0x80, s20, s20, $0xb8;
	[tilespmem:$0x1E800] =	vst v63  }
0x23: {  	_ =	swait.ge [sflag:s23], $0x4000  }
0x24: {  	[sflag:s23] =	ssyncset.done $0x0  }
0x25: {  	s0 =	sadd.s32 $0x0, s14;
	[sflag:s23] =	ssyncadd.s32 $0xFFFFC000  }
0x26: {  	[hbm4b:s0+s3] =	stream.linear.scatter [tilespmem:s21], [sflag:$0x3], $0x4000, $0x38;
	[tilespmem:$0x1E800] =	vst v63  }
0x27: {  	_ =	swait.ge [sflag:s24], $0x4000  }
0x28: {  	[sflag:s24] =	ssyncset.done $0x0  }
0x29: {  	s28 =	simm.s32 $0x100;
	[sflag:s24] =	ssyncadd.s32 $0xFFFFC000  }
0x2a: {  	[tilespmem:s21], [sflag:$0x1] =	stream.indirect.gather [spmem:s2], $0x80, s28, s20, $0xb8;
	[tilespmem:$0x1E800] =	vst v63  }
0x2b: {  	_ =	swait.ge [sflag:s25], $0x4000  }
0x2c: {  	[sflag:s25] =	ssyncset.done $0x0  }
0x2d: {  	s29 =	sadd.s32 $0x0, s16;
	[sflag:s25] =	ssyncadd.s32 $0xFFFFC000  }
0x2e: {  	[hbm4b:s29+s3] =	stream.linear.scatter [tilespmem:s22], [sflag:$0x4], $0x4000, $0x38;
	[tilespmem:$0x1E800] =	vst v63  }
0x2f: {  	_ =	swait.ge [sflag:s26], $0x4000  }
0x30: {  	s31 =	simm.s32 $0x180;
	[sflag:s26] =	ssyncset.done $0x0  }
0x31: {  	s1 =	simm.s32 $0x280;
	s0 =	simm.s32 $0x1000;
	[sflag:s26] =	ssyncadd.s32 $0xFFFFC000  }
.LBB2_2:
0x32: {  	[tilespmem:s22], [sflag:$0x2] =	stream.indirect.gather [spmem:s2], $0x80, s31, s20, $0xb8;
	[tilespmem:$0x1E800] =	vst v63  }
0x33: {  	s28 =	smov.u32 s0;
	s31 =	smov.u32 s1  }
0x34: {  	p0 =	sne.s32 s0, $0x26000;
	s0 =	sadd.s32 $0x1000, s0;
	_ =	swait.ge [sflag:s23], $0x4000  }
0x35: {  	[sflag:s23] =	ssyncset.done $0x0  }
0x36: {  	s29 =	sadd.s32 s28, s14;
	[sflag:s23] =	ssyncadd.s32 $0xFFFFC000  }
0x37: {  	[hbm4b:s29+s3] =	stream.linear.scatter [tilespmem:s21], [sflag:$0x3], $0x4000, $0x38;
	[tilespmem:$0x1E800] =	vst v63  }
0x38: {  	_ =	swait.ge [sflag:s24], $0x4000  }
0x39: {  	[sflag:s24] =	ssyncset.done $0x0  }
0x3a: {  	s29 =	sadd.s32 $0xFFFFFF80, s1;
	[sflag:s24] =	ssyncadd.s32 $0xFFFFC000  }
0x3b: {  	[tilespmem:s21], [sflag:$0x1] =	stream.indirect.gather [spmem:s2], $0x80, s29, s20, $0xb8;
	[tilespmem:$0x1E800] =	vst v63  }
0x3c: {  	_ =	swait.ge [sflag:s25], $0x4000  }
0x3d: {  	[sflag:s25] =	ssyncset.done $0x0  }
.Ltmp0:
0x3e: {  	s28 =	sadd.s32 s28, s16;
	[sflag:s25] =	ssyncadd.s32 $0xFFFFC000;
	(pc) =	sbr.rel @p0 .LBB2_2-.Ltmp0, $4  }
0x3f: {  	[hbm4b:s28+s3] =	stream.linear.scatter [tilespmem:s22], [sflag:$0x4], $0x4000, $0x38;
	[tilespmem:$0x1E800] =	vst v63  }
0x40: {  	_ =	swait.ge [sflag:s26], $0x4000  }
0x41: {  	[sflag:s26] =	ssyncset.done $0x0  }
0x42: {  	s1 =	sadd.s32 $0x100, s1;
	[sflag:s26] =	ssyncadd.s32 $0xFFFFC000  }
0x43: {  	[tilespmem:s22], [sflag:$0x2] =	stream.indirect.gather [spmem:s2], $0x80, s31, s20, $0xb8;
	[tilespmem:$0x1E800] =	vst v63  }
0x44: {  	_ =	swait.ge [sflag:s23], $0x4000  }
0x45: {  	[sflag:s23] =	ssyncset.done $0x0  }
0x46: {  	s0 =	simm.s32 $0x0;
	[sflag:s23] =	ssyncadd.s32 $0xFFFFC000  }
0x47: {  	[hbm4b:s13+s0] =	stream.linear.scatter [tilespmem:s21], [sflag:$0x3], $0x4000, $0x38;
	[tilespmem:$0x1E800] =	vst v63  }
0x48: {  	_ =	swait.ge [sflag:s24], $0x4000  }
0x49: {  	[sflag:s24] =	ssyncset.done $0x0  }
0x4a: {  	[sflag:s24] =	ssyncadd.s32 $0xFFFFC000  }
0x4b: {  	_ =	swait.ge [sflag:s25], $0x4000  }
0x4c: {  	[sflag:s25] =	ssyncset.done $0x0  }
0x4d: {  	[sflag:s25] =	ssyncadd.s32 $0xFFFFC000  }
0x4e: {  	[hbm4b:s15+s0] =	stream.linear.scatter [tilespmem:s22], [sflag:$0x4], $0x4000, $0x38;
	[tilespmem:$0x1E800] =	vst v63  }
0x4f: {  	_ =	swait.ge [sflag:s26], $0x4000  }
0x50: {  	[sflag:s26] =	ssyncset.done $0x0  }
0x51: {  	[sflag:s26] =	ssyncadd.s32 $0xFFFFC000  }
0x52: {  	[bflag:$0x0] =	sbarrier.arrive $0xFFFF  }
0x53: {  	[spmem:s18], [sflag:s6] =	dma.local [hbm:s4], $0x2800  }
0x54: {  	_ =	swait.ge [sflag:s19], $0x2800  }
0x55: {  	[sflag:s19] =	ssyncset.done $0x0  }
0x56: {  	[sflag:s19] =	ssyncadd.s32 $0xFFFFD800  }
0x57: {  	[bflag:$0x0] =	sbarrier.arrive $0xFFFF  }
0x58: {  	[tilespmem:s0], [sflag:$0x5] =	stream.linear.gather [hbm4b:s8+s0], $0x2800, $0x38;
	[tilespmem:$0x1E800] =	vst v63  }
0x59: {  	_ =	swait.ge [sflag:s19], $0x2800  }
0x5a: {  	[sflag:s19] =	ssyncset.done $0x0  }
0x5b: {  	[sflag:s19] =	ssyncadd.s32 $0xFFFFD800  }
0x5c: {  	[tilespmem:s21], [sflag:$0x1] =	stream.linear.gather [hbm4b:s9+s0], $0x4000, $0x38;
	[tilespmem:$0x1E800] =	vst v63  }
0x5d: {  	_ = 	snop  }
0x5e: {  	[tilespmem:s22], [sflag:$0x2] =	stream.linear.gather [hbm4b:s10+s0], $0x4000, $0x38;
	[tilespmem:$0x1E800] =	vst v63  }
0x5f: {  	_ =	swait.ge [sflag:s23], $0x4000  }
0x60: {  	[sflag:s23] =	ssyncset.done $0x0  }
0x61: {  	s1 =	simm.s32 $0x0;
	[sflag:s23] =	ssyncadd.s32 $0xFFFFC000  }
0x62: {  	[spmem:s2] =	stream.indirect.scatter.add.f32 [tilespmem:s21], [sflag:$0x5], $0x80, s1, s20, $0xb8;
	[tilespmem:$0x1E800] =	vst v63  }
0x63: {  	_ =	swait.ge [sflag:s19], $0x4000  }
0x64: {  	[sflag:s19] =	ssyncset.done $0x0  }
0x65: {  	s28 =	sadd.s32 $0xFFFFF800, s17;
	[sflag:s19] =	ssyncadd.s32 $0xFFFFC000  }
0x66: {  	[tilespmem:s21], [sflag:$0x1] =	stream.linear.gather [hbm4b:s28+s3], $0x4000, $0x38;
	[tilespmem:$0x1E800] =	vst v63  }
0x67: {  	_ =	swait.ge [sflag:s25], $0x4000  }
0x68: {  	[sflag:s25] =	ssyncset.done $0x0  }
0x69: {  	s29 =	simm.s32 $0x80;
	[sflag:s25] =	ssyncadd.s32 $0xFFFFC000  }
0x6a: {  	[spmem:s2] =	stream.indirect.scatter.add.f32 [tilespmem:s22], [sflag:$0x5], $0x80, s29, s20, $0xb8;
	[tilespmem:$0x1E800] =	vst v63  }
0x6b: {  	_ =	swait.ge [sflag:s19], $0x4000  }
0x6c: {  	s31 =	simm.s32 $0x400;
	[sflag:s19] =	ssyncset.done $0x0  }
0x6d: {  	s0 =	sadd.s32 $0x1000, s17;
	s1 =	smov.u32 s17;
	[sflag:s19] =	ssyncadd.s32 $0xFFFFC000  }
.LBB2_4:
0x6e: {  	[tilespmem:s22], [sflag:$0x2] =	stream.linear.gather [hbm4b:s1+s3], $0x4000, $0x38;
	[tilespmem:$0x1E800] =	vst v63  }
0x6f: {  	s28 =	smov.u32 s31;
	s1 =	smov.u32 s0  }
0x70: {  	p0 =	sne.s32 s31, $0x9800;
	s31 =	sadd.s32 $0x400, s31;
	_ =	swait.ge [sflag:s23], $0x4000  }
0x71: {  	[sflag:s23] =	ssyncset.done $0x0  }
0x72: {  	s28 =	sshra.s32 s28, $0x2;
	[sflag:s23] =	ssyncadd.s32 $0xFFFFC000  }
0x73: {  	[spmem:s2] =	stream.indirect.scatter.add.f32 [tilespmem:s21], [sflag:$0x5], $0x80, s28, s20, $0xb8;
	[tilespmem:$0x1E800] =	vst v63  }
0x74: {  	_ =	swait.ge [sflag:s19], $0x4000  }
0x75: {  	[sflag:s19] =	ssyncset.done $0x0  }
0x76: {  	s29 =	sadd.s32 $0xFFFFF800, s0;
	[sflag:s19] =	ssyncadd.s32 $0xFFFFC000  }
0x77: {  	[tilespmem:s21], [sflag:$0x1] =	stream.linear.gather [hbm4b:s29+s3], $0x4000, $0x38;
	[tilespmem:$0x1E800] =	vst v63  }
0x78: {  	_ =	swait.ge [sflag:s25], $0x4000  }
0x79: {  	[sflag:s25] =	ssyncset.done $0x0  }
.Ltmp1:
0x7a: {  	s28 =	sadd.s32 $0x80, s28;
	[sflag:s25] =	ssyncadd.s32 $0xFFFFC000;
	(pc) =	sbr.rel @p0 .LBB2_4-.Ltmp1, $4  }
0x7b: {  	[spmem:s2] =	stream.indirect.scatter.add.f32 [tilespmem:s22], [sflag:$0x5], $0x80, s28, s20, $0xb8;
	[tilespmem:$0x1E800] =	vst v63  }
0x7c: {  	_ =	swait.ge [sflag:s19], $0x4000  }
0x7d: {  	[sflag:s19] =	ssyncset.done $0x0  }
0x7e: {  	s0 =	sadd.s32 $0x1000, s0;
	[sflag:s19] =	ssyncadd.s32 $0xFFFFC000  }
0x7f: {  	[tilespmem:s22], [sflag:$0x2] =	stream.linear.gather [hbm4b:s1+s3], $0x4000, $0x38;
	[tilespmem:$0x1E800] =	vst v63  }
0x80: {  	_ =	swait.ge [sflag:s23], $0x4000  }
0x81: {  	[sflag:s23] =	ssyncset.done $0x0  }
0x82: {  	s0 =	simm.s32 $0x2700;
	[sflag:s23] =	ssyncadd.s32 $0xFFFFC000  }
0x83: {  	[spmem:s2] =	stream.indirect.scatter.add.f32 [tilespmem:s21], [sflag:$0x5], $0x80, s0, s20, $0xb8;
	[tilespmem:$0x1E800] =	vst v63  }
0x84: {  	_ =	swait.ge [sflag:s19], $0x4000  }
0x85: {  	[sflag:s19] =	ssyncset.done $0x0  }
0x86: {  	[sflag:s19] =	ssyncadd.s32 $0xFFFFC000  }
0x87: {  	_ =	swait.ge [sflag:s25], $0x4000  }
0x88: {  	[sflag:s25] =	ssyncset.done $0x0  }
0x89: {  	s31 =	simm.s32 $0x2780;
	[sflag:s25] =	ssyncadd.s32 $0xFFFFC000  }
0x8a: {  	[spmem:s2] =	stream.indirect.scatter.add.f32 [tilespmem:s22], [sflag:$0x5], $0x80, s31, s20, $0xb8;
	[tilespmem:$0x1E800] =	vst v63  }
0x8b: {  	_ =	swait.ge [sflag:s19], $0x4000  }
0x8c: {  	s30 =	sadd.s32 $0x1, s30;
	[sflag:s19] =	ssyncset.done $0x0  }
0x8d: {  	p0 =	sne.s32 s30, s12;
	[sflag:s19] =	ssyncadd.s32 $0xFFFFC000  }
.Ltmp2:
0x8e: {  	[bflag:$0x0] =	sbarrier.arrive $0xFFFF;
	(pc) =	sbr.rel @p0 .LBB2_1-.Ltmp2, $4  }
0x8f: {  	[hbm:s11], [sflag:s6] =	dma.local [spmem:s18], $0x2800  }
0x90: {  	_ =	swait.ge [sflag:s19], $0x2800  }
0x91: {  	[sflag:s19] =	ssyncset.done $0x0  }
0x92: {  	[sflag:s19] =	ssyncadd.s32 $0xFFFFD800  }
0x93: {  	_ =	sfence.sel $0x180000  }
0x94: {  	[bflag:$0x0] =	sbarrier.arrive $0xFFFF  }
0x95: {  	_ =	strace $0x90000047  }
0x96: {  	s0 =	stileid.u32;
	[bflag:$0x2] =	sbarrier.arrive $0xFFFF  }
0x97: {  	p0 =	sne.s32 s0, $0x0;
	s0 =	rddreg [dreg:$0x3]  }
0x98: {  	s0 =	sadd.s32 @!p0 $0x100000, s0  }
0x99: {  	[sflag:s0] =	ssyncadd.tile.s32 @!p0 $0x1;
	_ =	shalt  }
.Lfunc_end2:
_tile_overlayer_lowered:
.L_overlay_start_2:
0x9a: {  	(tag) =	ssettag $0x2  }
0x9b: {  	s0 =	rddreg [dreg:$0x0];
	s2 =	stileid.u32  }
0x9c: {  	s1 =	rddreg [dreg:$0x1];
	p0 =	sne.s32 s2, $0x0  }
0x9d: {  	s3 =	rddreg [dreg:$0x2];
	[bflag:$0x3] =	sbarrier.arrive $0xFFFF;
	s2 =	simm.s32 @!p0 $0x1C05  }
0x9e: {  	[timem:s3], [sflag:s2] =	dma.local @!p0 [hbm:s0], s1  }
0x9f: {  	s0 =	simm.s32 @!p0 $0x5  }
0xa0: {  	_ =	swait.ge @!p0 [sflag:s0], s1  }
0xa1: {  	s1 =	ssub.s32 @!p0 $0x0, s1;
	[sflag:s0] =	ssyncset.done @!p0 $0x0  }
0xa2: {  	[sflag:s0] =	ssyncadd.s32 @!p0 s1  }
0xa3: {  	[bflag:$0x3] =	sbarrier.arrive $0xFFFF  }
0xa4: {  	_ =	shalt  }

</sc_bundles>
